<compile_context>
chip_gen: v7x
topology: tpu7x:2x2x1
jax: 0.10.2.dev20260603
libtpu: 0.0.44.dev20260713+nightly
codegen_flags: <defaults>
</compile_context>

<pallas_src>
import functools

import jax
import jax.numpy as jnp
from jax import lax
from jax.experimental import pallas as pl
from jax.experimental.pallas import tpu as pltpu
from jax.experimental.pallas import tpu_sc as plsc

NC = 2
NS = 16
NW = NC * NS
NSLOT = 4
C = 256


@functools.partial(jax.jit, static_argnums=(2,))
def _sc_gather(idx, table, bpw):
    n = idx.shape[0]
    dim = table.shape[1]
    mesh = plsc.VectorSubcoreMesh(
        core_axis_name="c", subcore_axis_name="s",
        num_cores=NC, num_subcores=NS,
    )
    nblk = bpw // C

    @functools.partial(
        pl.kernel,
        out_type=jax.ShapeDtypeStruct((n, dim), jnp.float32),
        mesh=mesh,
        scratch_types=[
            pltpu.VMEM((bpw,), jnp.int32),
            pltpu.VMEM((NSLOT, C, dim), jnp.float32),
            pltpu.SemaphoreType.DMA,
            pltpu.SemaphoreType.DMA,
            pltpu.SemaphoreType.DMA,
            pltpu.SemaphoreType.DMA,
            pltpu.SemaphoreType.DMA,
            pltpu.SemaphoreType.DMA,
            pltpu.SemaphoreType.DMA,
            pltpu.SemaphoreType.DMA,
        ],
        compiler_params=pltpu.CompilerParams(use_tc_tiling_on_sc=False),
    )
    def k(idx_hbm, table_hbm, out_hbm, idx_v, slab,
          g0, g1, g2, g3, w0, w1, w2, w3):
        wid = lax.axis_index("s") * NC + lax.axis_index("c")
        r0 = wid * bpw
        pltpu.sync_copy(idx_hbm.at[pl.ds(r0, bpw)], idx_v)
        gsems = (g0, g1, g2, g3)
        wsems = (w0, w1, w2, w3)

        def issue(blk, p):
            pltpu.async_copy(
                table_hbm.at[idx_v.at[pl.ds(blk * C, C)]],
                slab.at[p], gsems[p],
            )

        def wait_gather(p):
            pltpu.make_async_copy(
                table_hbm.at[pl.ds(0, C)], slab.at[p], gsems[p]
            ).wait()

        def write(blk, p):
            pltpu.async_copy(
                slab.at[p], out_hbm.at[pl.ds(r0 + blk * C, C)], wsems[p]
            )

        def wait_write(p):
            pltpu.make_async_copy(
                table_hbm.at[pl.ds(0, C)], slab.at[p], wsems[p]
            ).wait()

        for j in range(NSLOT):
            issue(j, j)

        ngrp = nblk // NSLOT

        @pl.loop(0, ngrp)
        def _(g):
            base = g * NSLOT
            for j in range(NSLOT):
                blk = base + j
                wait_gather(j)
                write(blk, j)

                @pl.when(blk + NSLOT < nblk)
                def _():
                    wait_write(j)
                    issue(blk + NSLOT, j)

        for j in range(nblk - ngrp * NSLOT):
            wait_gather(j)
            write(ngrp * NSLOT + j, j)

        for j in range(NSLOT):
            wait_write(j)

    return k(idx, table)


def kernel(input_indices, weight):
    b, s = input_indices.shape
    dim = weight.shape[1]
    idx = input_indices.reshape(b * s).astype(jnp.int32)
    bpw = (b * s) // NW
    out = _sc_gather(idx, weight, bpw)
    return out.reshape(b, s, dim)

# --- scband reference (transcript-rebuilt; emitter-appended) ---
"""Pipeline reference for scband-custom-embedding-87866440941740 (READ-ONLY COPY).

The authoritative reference and input builder live on the scoring server;
editing this copy changes nothing except your own understanding.
"""

import jax, jax.numpy as jnp
import numpy as np

NUM_EMBEDDINGS = 1000000
EMBEDDING_DIM = 32


def setup_inputs(seed: int = 0) -> dict:
    key = jax.random.key(seed)
    k_idx, k_w = jax.random.split(key)
    input_indices = jax.random.randint(k_idx, (4096, 50), 0, NUM_EMBEDDINGS, dtype=jnp.int64 if jax.config.jax_enable_x64 else jnp.int32)
    weight = jax.random.normal(k_w, (NUM_EMBEDDINGS, EMBEDDING_DIM), dtype=jnp.float32)
    return {"input_indices": input_indices, "weight": weight}


def reference(input_indices, weight):
    # Faithful translation of CustomEmbedding.forward: weight[input_indices]
    embedded_vectors = jnp.take(weight, input_indices, axis=0)
    return embedded_vectors

if __name__ == "__main__":
    import jax
    _d = setup_inputs()
    print(jax.jit(kernel)(*tuple(_d.values())))

</pallas_src>

<mosaic_0001>
#map = affine_map<(d0, d1) -> (0)>
#map1 = affine_map<(d0, d1) -> (0, 0)>
module attributes {stable_mosaic.version = 14 : i64} {
  func.func @k(%arg0: i32, %arg1: i32, %arg2: memref<204800xi32, #tpu.memory_space<hbm>>, %arg3: memref<1000000x32xf32, #tpu.memory_space<hbm>>, %arg4: memref<204800x32xf32, #tpu.memory_space<hbm>>, %arg5: memref<6400xi32, #tpu.memory_space<vmem>>, %arg6: memref<4x256x32xf32, #tpu.memory_space<vmem>>, %arg7: memref<!tpu.dma_semaphore, #tpu.memory_space<semaphore_mem>>, %arg8: memref<!tpu.dma_semaphore, #tpu.memory_space<semaphore_mem>>, %arg9: memref<!tpu.dma_semaphore, #tpu.memory_space<semaphore_mem>>, %arg10: memref<!tpu.dma_semaphore, #tpu.memory_space<semaphore_mem>>, %arg11: memref<!tpu.dma_semaphore, #tpu.memory_space<semaphore_mem>>, %arg12: memref<!tpu.dma_semaphore, #tpu.memory_space<semaphore_mem>>, %arg13: memref<!tpu.dma_semaphore, #tpu.memory_space<semaphore_mem>>, %arg14: memref<!tpu.dma_semaphore, #tpu.memory_space<semaphore_mem>>) attributes {dimension_semantics = [#tpu.dimension_semantics<core_parallel>, #tpu.dimension_semantics<subcore_parallel>], iteration_bounds = array<i64: 2, 16>, scalar_prefetch = 0 : i64, scratch_operands = 10 : i64, tpu.core_type = #tpu.core_type<sc_vector_subcore>, window_params = [{transform_indices = #map}, {transform_indices = #map1}, {transform_indices = #map1}]} {
    %mul3A = arith.constant 2 : i32
    %mul3A_0 = arith.muli %arg1, %mul3A : i32
    %add3A = arith.addi %mul3A_0, %arg0 : i32
    %mul3A_1 = arith.constant 6400 : i32
    %mul3A_2 = arith.muli %add3A, %mul3A_1 : i32
    "tpu.region"() ({
      %run_scoped3A = tpu.sem_alloc : memref<!tpu.dma_semaphore, #tpu.memory_space<semaphore_mem>>
      %dma_start3A_135 = tpu.memref_slice %arg2[%mul3A_2] : memref<204800xi32, #tpu.memory_space<hbm>> -> memref<6400xi32, #tpu.memory_space<hbm>>
      %dma_start3A_136 = tpu.memref_slice %arg2[%mul3A_2] : memref<204800xi32, #tpu.memory_space<hbm>> -> memref<6400xi32, #tpu.memory_space<hbm>>
      tpu.enqueue_dma source(%dma_start3A_136 : memref<6400xi32, #tpu.memory_space<hbm>>) target(%arg5 : memref<6400xi32, #tpu.memory_space<vmem>>) target_semaphore(%run_scoped3A : memref<!tpu.dma_semaphore, #tpu.memory_space<semaphore_mem>>)
      %dma_wait3A_137 = tpu.memref_slice %arg2[%mul3A_2] : memref<204800xi32, #tpu.memory_space<hbm>> -> memref<6400xi32, #tpu.memory_space<hbm>>
      %dma_wait3A_138 = tpu.memref_slice %arg2[%mul3A_2] : memref<204800xi32, #tpu.memory_space<hbm>> -> memref<6400xi32, #tpu.memory_space<hbm>>
      tpu.wait_dma2 semaphore(%run_scoped3A : memref<!tpu.dma_semaphore, #tpu.memory_space<semaphore_mem>>) src(%dma_wait3A_138 : memref<6400xi32, #tpu.memory_space<hbm>>) dst(%arg5 : memref<6400xi32, #tpu.memory_space<vmem>>)
      tpu.yield
    }) : () -> ()
    %dma_start3A = arith.constant 0 : i32
    %dma_start3A_3 = arith.constant 0 : i32
    %dma_start3A_4 = arith.constant 0 : i32
    %dma_start3A_5 = tpu.memref_slice %arg6[%dma_start3A, %dma_start3A_3, %dma_start3A_4] : memref<4x256x32xf32, #tpu.memory_space<vmem>> -> memref<1x256x32xf32, #tpu.memory_space<vmem>>
    %dma_start3A_6 = tpu.memref_squeeze %dma_start3A_5 : memref<1x256x32xf32, #tpu.memory_space<vmem>> -> memref<256x32xf32, #tpu.memory_space<vmem>>
    %dma_start3A_7 = arith.constant 0 : i32
    %dma_start3A_8 = tpu.memref_slice %arg5[%dma_start3A_7] : memref<6400xi32, #tpu.memory_space<vmem>> -> memref<256xi32, #tpu.memory_space<vmem>>
    %dma_start3A_9 = arith.constant 0 : i32
    %dma_start3A_10 = arith.constant 0 : i32
    %dma_start3A_11 = tpu.memref_slice %arg3[%dma_start3A_9, %dma_start3A_10] : memref<1000000x32xf32, #tpu.memory_space<hbm>> -> memref<1000000x32xf32, #tpu.memory_space<hbm>>
    tpu.enqueue_indirect_dma source(%dma_start3A_11 : memref<1000000x32xf32, #tpu.memory_space<hbm>>) target(%dma_start3A_6 : memref<256x32xf32, #tpu.memory_space<vmem>>) offsets(%dma_start3A_8 : memref<256xi32, #tpu.memory_space<vmem>>) semaphore(%arg7 : memref<!tpu.dma_semaphore, #tpu.memory_space<semaphore_mem>>)
    %dma_start3A_12 = arith.constant 1 : i32
    %dma_start3A_13 = arith.constant 0 : i32
    %dma_start3A_14 = arith.constant 0 : i32
    %dma_start3A_15 = tpu.memref_slice %arg6[%dma_start3A_12, %dma_start3A_13, %dma_start3A_14] : memref<4x256x32xf32, #tpu.memory_space<vmem>> -> memref<1x256x32xf32, #tpu.memory_space<vmem>>
    %dma_start3A_16 = tpu.memref_squeeze %dma_start3A_15 : memref<1x256x32xf32, #tpu.memory_space<vmem>> -> memref<256x32xf32, #tpu.memory_space<vmem>>
    %dma_start3A_17 = arith.constant 256 : i32
    %dma_start3A_18 = tpu.memref_slice %arg5[%dma_start3A_17] : memref<6400xi32, #tpu.memory_space<vmem>> -> memref<256xi32, #tpu.memory_space<vmem>>
    %dma_start3A_19 = arith.constant 0 : i32
    %dma_start3A_20 = arith.constant 0 : i32
    %dma_start3A_21 = tpu.memref_slice %arg3[%dma_start3A_19, %dma_start3A_20] : memref<1000000x32xf32, #tpu.memory_space<hbm>> -> memref<1000000x32xf32, #tpu.memory_space<hbm>>
    tpu.enqueue_indirect_dma source(%dma_start3A_21 : memref<1000000x32xf32, #tpu.memory_space<hbm>>) target(%dma_start3A_16 : memref<256x32xf32, #tpu.memory_space<vmem>>) offsets(%dma_start3A_18 : memref<256xi32, #tpu.memory_space<vmem>>) semaphore(%arg8 : memref<!tpu.dma_semaphore, #tpu.memory_space<semaphore_mem>>)
    %dma_start3A_22 = arith.constant 2 : i32
    %dma_start3A_23 = arith.constant 0 : i32
    %dma_start3A_24 = arith.constant 0 : i32
    %dma_start3A_25 = tpu.memref_slice %arg6[%dma_start3A_22, %dma_start3A_23, %dma_start3A_24] : memref<4x256x32xf32, #tpu.memory_space<vmem>> -> memref<1x256x32xf32, #tpu.memory_space<vmem>>
    %dma_start3A_26 = tpu.memref_squeeze %dma_start3A_25 : memref<1x256x32xf32, #tpu.memory_space<vmem>> -> memref<256x32xf32, #tpu.memory_space<vmem>>
    %dma_start3A_27 = arith.constant 512 : i32
    %dma_start3A_28 = tpu.memref_slice %arg5[%dma_start3A_27] : memref<6400xi32, #tpu.memory_space<vmem>> -> memref<256xi32, #tpu.memory_space<vmem>>
    %dma_start3A_29 = arith.constant 0 : i32
    %dma_start3A_30 = arith.constant 0 : i32
    %dma_start3A_31 = tpu.memref_slice %arg3[%dma_start3A_29, %dma_start3A_30] : memref<1000000x32xf32, #tpu.memory_space<hbm>> -> memref<1000000x32xf32, #tpu.memory_space<hbm>>
    tpu.enqueue_indirect_dma source(%dma_start3A_31 : memref<1000000x32xf32, #tpu.memory_space<hbm>>) target(%dma_start3A_26 : memref<256x32xf32, #tpu.memory_space<vmem>>) offsets(%dma_start3A_28 : memref<256xi32, #tpu.memory_space<vmem>>) semaphore(%arg9 : memref<!tpu.dma_semaphore, #tpu.memory_space<semaphore_mem>>)
    %dma_start3A_32 = arith.constant 3 : i32
    %dma_start3A_33 = arith.constant 0 : i32
    %dma_start3A_34 = arith.constant 0 : i32
    %dma_start3A_35 = tpu.memref_slice %arg6[%dma_start3A_32, %dma_start3A_33, %dma_start3A_34] : memref<4x256x32xf32, #tpu.memory_space<vmem>> -> memref<1x256x32xf32, #tpu.memory_space<vmem>>
    %dma_start3A_36 = tpu.memref_squeeze %dma_start3A_35 : memref<1x256x32xf32, #tpu.memory_space<vmem>> -> memref<256x32xf32, #tpu.memory_space<vmem>>
    %dma_start3A_37 = arith.constant 768 : i32
    %dma_start3A_38 = tpu.memref_slice %arg5[%dma_start3A_37] : memref<6400xi32, #tpu.memory_space<vmem>> -> memref<256xi32, #tpu.memory_space<vmem>>
    %dma_start3A_39 = arith.constant 0 : i32
    %dma_start3A_40 = arith.constant 0 : i32
    %dma_start3A_41 = tpu.memref_slice %arg3[%dma_start3A_39, %dma_start3A_40] : memref<1000000x32xf32, #tpu.memory_space<hbm>> -> memref<1000000x32xf32, #tpu.memory_space<hbm>>
    tpu.enqueue_indirect_dma source(%dma_start3A_41 : memref<1000000x32xf32, #tpu.memory_space<hbm>>) target(%dma_start3A_36 : memref<256x32xf32, #tpu.memory_space<vmem>>) offsets(%dma_start3A_38 : memref<256xi32, #tpu.memory_space<vmem>>) semaphore(%arg10 : memref<!tpu.dma_semaphore, #tpu.memory_space<semaphore_mem>>)
    %scan3A = arith.constant 0 : i32
    %scan3A_42 = arith.constant 6 : i32
    %scan3A_43 = arith.addi %scan3A, %scan3A_42 : i32
    %scan3A_44 = arith.constant 1 : i32
    scf.for %scan3A_135 = %scan3A to %scan3A_43 step %scan3A_44  : i32 {
      %mul3A_136 = arith.constant 1 : i32
      %mul3A_137 = arith.muli %scan3A_135, %mul3A_136 : i32
      %add3A_138 = arith.constant 0 : i32
      %add3A_139 = arith.addi %add3A_138, %mul3A_137 : i32
      %mul3A_140 = arith.constant 4 : i32
      %mul3A_141 = arith.muli %add3A_139, %mul3A_140 : i32
      %add3A_142 = arith.constant 0 : i32
      %add3A_143 = arith.addi %mul3A_141, %add3A_142 : i32
      %dma_wait3A_144 = arith.constant 0 : i32
      %dma_wait3A_145 = arith.constant 0 : i32
      %dma_wait3A_146 = arith.constant 0 : i32
      %dma_wait3A_147 = tpu.memref_slice %arg6[%dma_wait3A_144, %dma_wait3A_145, %dma_wait3A_146] : memref<4x256x32xf32, #tpu.memory_space<vmem>> -> memref<1x256x32xf32, #tpu.memory_space<vmem>>
      %dma_wait3A_148 = tpu.memref_squeeze %dma_wait3A_147 : memref<1x256x32xf32, #tpu.memory_space<vmem>> -> memref<256x32xf32, #tpu.memory_space<vmem>>
      %dma_wait3A_149 = arith.constant 0 : i32
      %dma_wait3A_150 = arith.constant 0 : i32
      %dma_wait3A_151 = tpu.memref_slice %arg3[%dma_wait3A_149, %dma_wait3A_150] : memref<1000000x32xf32, #tpu.memory_space<hbm>> -> memref<256x32xf32, #tpu.memory_space<hbm>>
      %dma_wait3A_152 = arith.constant 0 : i32
      %dma_wait3A_153 = arith.constant 0 : i32
      %dma_wait3A_154 = tpu.memref_slice %arg6[%dma_wait3A_144, %dma_wait3A_152, %dma_wait3A_153] : memref<4x256x32xf32, #tpu.memory_space<vmem>> -> memref<1x256x32xf32, #tpu.memory_space<vmem>>
      %dma_wait3A_155 = tpu.memref_squeeze %dma_wait3A_154 : memref<1x256x32xf32, #tpu.memory_space<vmem>> -> memref<256x32xf32, #tpu.memory_space<vmem>>
      %dma_wait3A_156 = arith.constant 0 : i32
      %dma_wait3A_157 = arith.constant 0 : i32
      %dma_wait3A_158 = tpu.memref_slice %arg3[%dma_wait3A_156, %dma_wait3A_157] : memref<1000000x32xf32, #tpu.memory_space<hbm>> -> memref<256x32xf32, #tpu.memory_space<hbm>>
      tpu.wait_dma2 semaphore(%arg7 : memref<!tpu.dma_semaphore, #tpu.memory_space<semaphore_mem>>) src(%dma_wait3A_158 : memref<256x32xf32, #tpu.memory_space<hbm>>) dst(%dma_wait3A_155 : memref<256x32xf32, #tpu.memory_space<vmem>>)
      %mul3A_159 = arith.constant 256 : i32
      %mul3A_160 = arith.muli %add3A_143, %mul3A_159 : i32
      %add3A_161 = arith.addi %mul3A_2, %mul3A_160 : i32
      %dma_start3A_162 = arith.constant 0 : i32
      %dma_start3A_163 = arith.constant 0 : i32
      %dma_start3A_164 = arith.constant 0 : i32
      %dma_start3A_165 = tpu.memref_slice %arg6[%dma_start3A_162, %dma_start3A_163, %dma_start3A_164] : memref<4x256x32xf32, #tpu.memory_space<vmem>> -> memref<1x256x32xf32, #tpu.memory_space<vmem>>
      %dma_start3A_166 = tpu.memref_squeeze %dma_start3A_165 : memref<1x256x32xf32, #tpu.memory_space<vmem>> -> memref<256x32xf32, #tpu.memory_space<vmem>>
      %dma_start3A_167 = arith.constant 0 : i32
      %dma_start3A_168 = tpu.memref_slice %arg4[%add3A_161, %dma_start3A_167] : memref<204800x32xf32, #tpu.memory_space<hbm>> -> memref<256x32xf32, #tpu.memory_space<hbm>>
      %dma_start3A_169 = arith.constant 0 : i32
      %dma_start3A_170 = tpu.memref_slice %arg4[%add3A_161, %dma_start3A_169] : memref<204800x32xf32, #tpu.memory_space<hbm>> -> memref<256x32xf32, #tpu.memory_space<hbm>>
      %dma_start3A_171 = arith.constant 0 : i32
      %dma_start3A_172 = arith.constant 0 : i32
      %dma_start3A_173 = tpu.memref_slice %arg6[%dma_start3A_162, %dma_start3A_171, %dma_start3A_172] : memref<4x256x32xf32, #tpu.memory_space<vmem>> -> memref<1x256x32xf32, #tpu.memory_space<vmem>>
      %dma_start3A_174 = tpu.memref_squeeze %dma_start3A_173 : memref<1x256x32xf32, #tpu.memory_space<vmem>> -> memref<256x32xf32, #tpu.memory_space<vmem>>
      tpu.enqueue_dma source(%dma_start3A_174 : memref<256x32xf32, #tpu.memory_space<vmem>>) target(%dma_start3A_170 : memref<256x32xf32, #tpu.memory_space<hbm>>) target_semaphore(%arg11 : memref<!tpu.dma_semaphore, #tpu.memory_space<semaphore_mem>>)
      %add3A_175 = arith.constant 4 : i32
      %add3A_176 = arith.addi %add3A_143, %add3A_175 : i32
      %lt3A = arith.constant 25 : i32
      %lt3A_177 = arith.cmpi slt, %add3A_176, %lt3A : i32
      %convert_element_type3A = arith.extui %lt3A_177 : i1 to i32
      %cond3A = arith.constant 0 : i32
      %cond3A_178 = arith.cmpi ne, %convert_element_type3A, %cond3A : i32
      scf.if %cond3A_178 {
        %dma_wait3A_299 = arith.constant 0 : i32
        %dma_wait3A_300 = arith.constant 0 : i32
        %dma_wait3A_301 = arith.constant 0 : i32
        %dma_wait3A_302 = tpu.memref_slice %arg6[%dma_wait3A_299, %dma_wait3A_300, %dma_wait3A_301] : memref<4x256x32xf32, #tpu.memory_space<vmem>> -> memref<1x256x32xf32, #tpu.memory_space<vmem>>
        %dma_wait3A_303 = tpu.memref_squeeze %dma_wait3A_302 : memref<1x256x32xf32, #tpu.memory_space<vmem>> -> memref<256x32xf32, #tpu.memory_space<vmem>>
        %dma_wait3A_304 = arith.constant 0 : i32
        %dma_wait3A_305 = arith.constant 0 : i32
        %dma_wait3A_306 = tpu.memref_slice %arg3[%dma_wait3A_304, %dma_wait3A_305] : memref<1000000x32xf32, #tpu.memory_space<hbm>> -> memref<256x32xf32, #tpu.memory_space<hbm>>
        %dma_wait3A_307 = arith.constant 0 : i32
        %dma_wait3A_308 = arith.constant 0 : i32
        %dma_wait3A_309 = tpu.memref_slice %arg6[%dma_wait3A_299, %dma_wait3A_307, %dma_wait3A_308] : memref<4x256x32xf32, #tpu.memory_space<vmem>> -> memref<1x256x32xf32, #tpu.memory_space<vmem>>
        %dma_wait3A_310 = tpu.memref_squeeze %dma_wait3A_309 : memref<1x256x32xf32, #tpu.memory_space<vmem>> -> memref<256x32xf32, #tpu.memory_space<vmem>>
        %dma_wait3A_311 = arith.constant 0 : i32
        %dma_wait3A_312 = arith.constant 0 : i32
        %dma_wait3A_313 = tpu.memref_slice %arg3[%dma_wait3A_311, %dma_wait3A_312] : memref<1000000x32xf32, #tpu.memory_space<hbm>> -> memref<256x32xf32, #tpu.memory_space<hbm>>
        tpu.wait_dma2 semaphore(%arg11 : memref<!tpu.dma_semaphore, #tpu.memory_space<semaphore_mem>>) src(%dma_wait3A_313 : memref<256x32xf32, #tpu.memory_space<hbm>>) dst(%dma_wait3A_310 : memref<256x32xf32, #tpu.memory_space<vmem>>)
        %add3A_314 = arith.constant 4 : i32
        %add3A_315 = arith.addi %add3A_143, %add3A_314 : i32
        %mul3A_316 = arith.constant 256 : i32
        %mul3A_317 = arith.muli %add3A_315, %mul3A_316 : i32
        %dma_start3A_318 = arith.constant 0 : i32
        %dma_start3A_319 = arith.constant 0 : i32
        %dma_start3A_320 = arith.constant 0 : i32
        %dma_start3A_321 = tpu.memref_slice %arg6[%dma_start3A_318, %dma_start3A_319, %dma_start3A_320] : memref<4x256x32xf32, #tpu.memory_space<vmem>> -> memref<1x256x32xf32, #tpu.memory_space<vmem>>
        %dma_start3A_322 = tpu.memref_squeeze %dma_start3A_321 : memref<1x256x32xf32, #tpu.memory_space<vmem>> -> memref<256x32xf32, #tpu.memory_space<vmem>>
        %dma_start3A_323 = tpu.memref_slice %arg5[%mul3A_317] : memref<6400xi32, #tpu.memory_space<vmem>> -> memref<256xi32, #tpu.memory_space<vmem>>
        %dma_start3A_324 = arith.constant 0 : i32
        %dma_start3A_325 = arith.constant 0 : i32
        %dma_start3A_326 = tpu.memref_slice %arg3[%dma_start3A_324, %dma_start3A_325] : memref<1000000x32xf32, #tpu.memory_space<hbm>> -> memref<1000000x32xf32, #tpu.memory_space<hbm>>
        tpu.enqueue_indirect_dma source(%dma_start3A_326 : memref<1000000x32xf32, #tpu.memory_space<hbm>>) target(%dma_start3A_322 : memref<256x32xf32, #tpu.memory_space<vmem>>) offsets(%dma_start3A_323 : memref<256xi32, #tpu.memory_space<vmem>>) semaphore(%arg7 : memref<!tpu.dma_semaphore, #tpu.memory_space<semaphore_mem>>)
      } else {
      }
      %add3A_179 = arith.constant 1 : i32
      %add3A_180 = arith.addi %mul3A_141, %add3A_179 : i32
      %dma_wait3A_181 = arith.constant 1 : i32
      %dma_wait3A_182 = arith.constant 0 : i32
      %dma_wait3A_183 = arith.constant 0 : i32
      %dma_wait3A_184 = tpu.memref_slice %arg6[%dma_wait3A_181, %dma_wait3A_182, %dma_wait3A_183] : memref<4x256x32xf32, #tpu.memory_space<vmem>> -> memref<1x256x32xf32, #tpu.memory_space<vmem>>
      %dma_wait3A_185 = tpu.memref_squeeze %dma_wait3A_184 : memref<1x256x32xf32, #tpu.memory_space<vmem>> -> memref<256x32xf32, #tpu.memory_space<vmem>>
      %dma_wait3A_186 = arith.constant 0 : i32
      %dma_wait3A_187 = arith.constant 0 : i32
      %dma_wait3A_188 = tpu.memref_slice %arg3[%dma_wait3A_186, %dma_wait3A_187] : memref<1000000x32xf32, #tpu.memory_space<hbm>> -> memref<256x32xf32, #tpu.memory_space<hbm>>
      %dma_wait3A_189 = arith.constant 0 : i32
      %dma_wait3A_190 = arith.constant 0 : i32
      %dma_wait3A_191 = tpu.memref_slice %arg6[%dma_wait3A_181, %dma_wait3A_189, %dma_wait3A_190] : memref<4x256x32xf32, #tpu.memory_space<vmem>> -> memref<1x256x32xf32, #tpu.memory_space<vmem>>
      %dma_wait3A_192 = tpu.memref_squeeze %dma_wait3A_191 : memref<1x256x32xf32, #tpu.memory_space<vmem>> -> memref<256x32xf32, #tpu.memory_space<vmem>>
      %dma_wait3A_193 = arith.constant 0 : i32
      %dma_wait3A_194 = arith.constant 0 : i32
      %dma_wait3A_195 = tpu.memref_slice %arg3[%dma_wait3A_193, %dma_wait3A_194] : memref<1000000x32xf32, #tpu.memory_space<hbm>> -> memref<256x32xf32, #tpu.memory_space<hbm>>
      tpu.wait_dma2 semaphore(%arg8 : memref<!tpu.dma_semaphore, #tpu.memory_space<semaphore_mem>>) src(%dma_wait3A_195 : memref<256x32xf32, #tpu.memory_space<hbm>>) dst(%dma_wait3A_192 : memref<256x32xf32, #tpu.memory_space<vmem>>)
      %mul3A_196 = arith.constant 256 : i32
      %mul3A_197 = arith.muli %add3A_180, %mul3A_196 : i32
      %add3A_198 = arith.addi %mul3A_2, %mul3A_197 : i32
      %dma_start3A_199 = arith.constant 1 : i32
      %dma_start3A_200 = arith.constant 0 : i32
      %dma_start3A_201 = arith.constant 0 : i32
      %dma_start3A_202 = tpu.memref_slice %arg6[%dma_start3A_199, %dma_start3A_200, %dma_start3A_201] : memref<4x256x32xf32, #tpu.memory_space<vmem>> -> memref<1x256x32xf32, #tpu.memory_space<vmem>>
      %dma_start3A_203 = tpu.memref_squeeze %dma_start3A_202 : memref<1x256x32xf32, #tpu.memory_space<vmem>> -> memref<256x32xf32, #tpu.memory_space<vmem>>
      %dma_start3A_204 = arith.constant 0 : i32
      %dma_start3A_205 = tpu.memref_slice %arg4[%add3A_198, %dma_start3A_204] : memref<204800x32xf32, #tpu.memory_space<hbm>> -> memref<256x32xf32, #tpu.memory_space<hbm>>
      %dma_start3A_206 = arith.constant 0 : i32
      %dma_start3A_207 = tpu.memref_slice %arg4[%add3A_198, %dma_start3A_206] : memref<204800x32xf32, #tpu.memory_space<hbm>> -> memref<256x32xf32, #tpu.memory_space<hbm>>
      %dma_start3A_208 = arith.constant 0 : i32
      %dma_start3A_209 = arith.constant 0 : i32
      %dma_start3A_210 = tpu.memref_slice %arg6[%dma_start3A_199, %dma_start3A_208, %dma_start3A_209] : memref<4x256x32xf32, #tpu.memory_space<vmem>> -> memref<1x256x32xf32, #tpu.memory_space<vmem>>
      %dma_start3A_211 = tpu.memref_squeeze %dma_start3A_210 : memref<1x256x32xf32, #tpu.memory_space<vmem>> -> memref<256x32xf32, #tpu.memory_space<vmem>>
      tpu.enqueue_dma source(%dma_start3A_211 : memref<256x32xf32, #tpu.memory_space<vmem>>) target(%dma_start3A_207 : memref<256x32xf32, #tpu.memory_space<hbm>>) target_semaphore(%arg12 : memref<!tpu.dma_semaphore, #tpu.memory_space<semaphore_mem>>)
      %add3A_212 = arith.constant 4 : i32
      %add3A_213 = arith.addi %add3A_180, %add3A_212 : i32
      %lt3A_214 = arith.constant 25 : i32
      %lt3A_215 = arith.cmpi slt, %add3A_213, %lt3A_214 : i32
      %convert_element_type3A_216 = arith.extui %lt3A_215 : i1 to i32
      %cond3A_217 = arith.constant 0 : i32
      %cond3A_218 = arith.cmpi ne, %convert_element_type3A_216, %cond3A_217 : i32
      scf.if %cond3A_218 {
        %dma_wait3A_299 = arith.constant 1 : i32
        %dma_wait3A_300 = arith.constant 0 : i32
        %dma_wait3A_301 = arith.constant 0 : i32
        %dma_wait3A_302 = tpu.memref_slice %arg6[%dma_wait3A_299, %dma_wait3A_300, %dma_wait3A_301] : memref<4x256x32xf32, #tpu.memory_space<vmem>> -> memref<1x256x32xf32, #tpu.memory_space<vmem>>
        %dma_wait3A_303 = tpu.memref_squeeze %dma_wait3A_302 : memref<1x256x32xf32, #tpu.memory_space<vmem>> -> memref<256x32xf32, #tpu.memory_space<vmem>>
        %dma_wait3A_304 = arith.constant 0 : i32
        %dma_wait3A_305 = arith.constant 0 : i32
        %dma_wait3A_306 = tpu.memref_slice %arg3[%dma_wait3A_304, %dma_wait3A_305] : memref<1000000x32xf32, #tpu.memory_space<hbm>> -> memref<256x32xf32, #tpu.memory_space<hbm>>
        %dma_wait3A_307 = arith.constant 0 : i32
        %dma_wait3A_308 = arith.constant 0 : i32
        %dma_wait3A_309 = tpu.memref_slice %arg6[%dma_wait3A_299, %dma_wait3A_307, %dma_wait3A_308] : memref<4x256x32xf32, #tpu.memory_space<vmem>> -> memref<1x256x32xf32, #tpu.memory_space<vmem>>
        %dma_wait3A_310 = tpu.memref_squeeze %dma_wait3A_309 : memref<1x256x32xf32, #tpu.memory_space<vmem>> -> memref<256x32xf32, #tpu.memory_space<vmem>>
        %dma_wait3A_311 = arith.constant 0 : i32
        %dma_wait3A_312 = arith.constant 0 : i32
        %dma_wait3A_313 = tpu.memref_slice %arg3[%dma_wait3A_311, %dma_wait3A_312] : memref<1000000x32xf32, #tpu.memory_space<hbm>> -> memref<256x32xf32, #tpu.memory_space<hbm>>
        tpu.wait_dma2 semaphore(%arg12 : memref<!tpu.dma_semaphore, #tpu.memory_space<semaphore_mem>>) src(%dma_wait3A_313 : memref<256x32xf32, #tpu.memory_space<hbm>>) dst(%dma_wait3A_310 : memref<256x32xf32, #tpu.memory_space<vmem>>)
        %add3A_314 = arith.constant 4 : i32
        %add3A_315 = arith.addi %add3A_180, %add3A_314 : i32
        %mul3A_316 = arith.constant 256 : i32
        %mul3A_317 = arith.muli %add3A_315, %mul3A_316 : i32
        %dma_start3A_318 = arith.constant 1 : i32
        %dma_start3A_319 = arith.constant 0 : i32
        %dma_start3A_320 = arith.constant 0 : i32
        %dma_start3A_321 = tpu.memref_slice %arg6[%dma_start3A_318, %dma_start3A_319, %dma_start3A_320] : memref<4x256x32xf32, #tpu.memory_space<vmem>> -> memref<1x256x32xf32, #tpu.memory_space<vmem>>
        %dma_start3A_322 = tpu.memref_squeeze %dma_start3A_321 : memref<1x256x32xf32, #tpu.memory_space<vmem>> -> memref<256x32xf32, #tpu.memory_space<vmem>>
        %dma_start3A_323 = tpu.memref_slice %arg5[%mul3A_317] : memref<6400xi32, #tpu.memory_space<vmem>> -> memref<256xi32, #tpu.memory_space<vmem>>
        %dma_start3A_324 = arith.constant 0 : i32
        %dma_start3A_325 = arith.constant 0 : i32
        %dma_start3A_326 = tpu.memref_slice %arg3[%dma_start3A_324, %dma_start3A_325] : memref<1000000x32xf32, #tpu.memory_space<hbm>> -> memref<1000000x32xf32, #tpu.memory_space<hbm>>
        tpu.enqueue_indirect_dma source(%dma_start3A_326 : memref<1000000x32xf32, #tpu.memory_space<hbm>>) target(%dma_start3A_322 : memref<256x32xf32, #tpu.memory_space<vmem>>) offsets(%dma_start3A_323 : memref<256xi32, #tpu.memory_space<vmem>>) semaphore(%arg8 : memref<!tpu.dma_semaphore, #tpu.memory_space<semaphore_mem>>)
      } else {
      }
      %add3A_219 = arith.constant 2 : i32
      %add3A_220 = arith.addi %mul3A_141, %add3A_219 : i32
      %dma_wait3A_221 = arith.constant 2 : i32
      %dma_wait3A_222 = arith.constant 0 : i32
      %dma_wait3A_223 = arith.constant 0 : i32
      %dma_wait3A_224 = tpu.memref_slice %arg6[%dma_wait3A_221, %dma_wait3A_222, %dma_wait3A_223] : memref<4x256x32xf32, #tpu.memory_space<vmem>> -> memref<1x256x32xf32, #tpu.memory_space<vmem>>
      %dma_wait3A_225 = tpu.memref_squeeze %dma_wait3A_224 : memref<1x256x32xf32, #tpu.memory_space<vmem>> -> memref<256x32xf32, #tpu.memory_space<vmem>>
      %dma_wait3A_226 = arith.constant 0 : i32
      %dma_wait3A_227 = arith.constant 0 : i32
      %dma_wait3A_228 = tpu.memref_slice %arg3[%dma_wait3A_226, %dma_wait3A_227] : memref<1000000x32xf32, #tpu.memory_space<hbm>> -> memref<256x32xf32, #tpu.memory_space<hbm>>
      %dma_wait3A_229 = arith.constant 0 : i32
      %dma_wait3A_230 = arith.constant 0 : i32
      %dma_wait3A_231 = tpu.memref_slice %arg6[%dma_wait3A_221, %dma_wait3A_229, %dma_wait3A_230] : memref<4x256x32xf32, #tpu.memory_space<vmem>> -> memref<1x256x32xf32, #tpu.memory_space<vmem>>
      %dma_wait3A_232 = tpu.memref_squeeze %dma_wait3A_231 : memref<1x256x32xf32, #tpu.memory_space<vmem>> -> memref<256x32xf32, #tpu.memory_space<vmem>>
      %dma_wait3A_233 = arith.constant 0 : i32
      %dma_wait3A_234 = arith.constant 0 : i32
      %dma_wait3A_235 = tpu.memref_slice %arg3[%dma_wait3A_233, %dma_wait3A_234] : memref<1000000x32xf32, #tpu.memory_space<hbm>> -> memref<256x32xf32, #tpu.memory_space<hbm>>
      tpu.wait_dma2 semaphore(%arg9 : memref<!tpu.dma_semaphore, #tpu.memory_space<semaphore_mem>>) src(%dma_wait3A_235 : memref<256x32xf32, #tpu.memory_space<hbm>>) dst(%dma_wait3A_232 : memref<256x32xf32, #tpu.memory_space<vmem>>)
      %mul3A_236 = arith.constant 256 : i32
      %mul3A_237 = arith.muli %add3A_220, %mul3A_236 : i32
      %add3A_238 = arith.addi %mul3A_2, %mul3A_237 : i32
      %dma_start3A_239 = arith.constant 2 : i32
      %dma_start3A_240 = arith.constant 0 : i32
      %dma_start3A_241 = arith.constant 0 : i32
      %dma_start3A_242 = tpu.memref_slice %arg6[%dma_start3A_239, %dma_start3A_240, %dma_start3A_241] : memref<4x256x32xf32, #tpu.memory_space<vmem>> -> memref<1x256x32xf32, #tpu.memory_space<vmem>>
      %dma_start3A_243 = tpu.memref_squeeze %dma_start3A_242 : memref<1x256x32xf32, #tpu.memory_space<vmem>> -> memref<256x32xf32, #tpu.memory_space<vmem>>
      %dma_start3A_244 = arith.constant 0 : i32
      %dma_start3A_245 = tpu.memref_slice %arg4[%add3A_238, %dma_start3A_244] : memref<204800x32xf32, #tpu.memory_space<hbm>> -> memref<256x32xf32, #tpu.memory_space<hbm>>
      %dma_start3A_246 = arith.constant 0 : i32
      %dma_start3A_247 = tpu.memref_slice %arg4[%add3A_238, %dma_start3A_246] : memref<204800x32xf32, #tpu.memory_space<hbm>> -> memref<256x32xf32, #tpu.memory_space<hbm>>
      %dma_start3A_248 = arith.constant 0 : i32
      %dma_start3A_249 = arith.constant 0 : i32
      %dma_start3A_250 = tpu.memref_slice %arg6[%dma_start3A_239, %dma_start3A_248, %dma_start3A_249] : memref<4x256x32xf32, #tpu.memory_space<vmem>> -> memref<1x256x32xf32, #tpu.memory_space<vmem>>
      %dma_start3A_251 = tpu.memref_squeeze %dma_start3A_250 : memref<1x256x32xf32, #tpu.memory_space<vmem>> -> memref<256x32xf32, #tpu.memory_space<vmem>>
      tpu.enqueue_dma source(%dma_start3A_251 : memref<256x32xf32, #tpu.memory_space<vmem>>) target(%dma_start3A_247 : memref<256x32xf32, #tpu.memory_space<hbm>>) target_semaphore(%arg13 : memref<!tpu.dma_semaphore, #tpu.memory_space<semaphore_mem>>)
      %add3A_252 = arith.constant 4 : i32
      %add3A_253 = arith.addi %add3A_220, %add3A_252 : i32
      %lt3A_254 = arith.constant 25 : i32
      %lt3A_255 = arith.cmpi slt, %add3A_253, %lt3A_254 : i32
      %convert_element_type3A_256 = arith.extui %lt3A_255 : i1 to i32
      %cond3A_257 = arith.constant 0 : i32
      %cond3A_258 = arith.cmpi ne, %convert_element_type3A_256, %cond3A_257 : i32
      scf.if %cond3A_258 {
        %dma_wait3A_299 = arith.constant 2 : i32
        %dma_wait3A_300 = arith.constant 0 : i32
        %dma_wait3A_301 = arith.constant 0 : i32
        %dma_wait3A_302 = tpu.memref_slice %arg6[%dma_wait3A_299, %dma_wait3A_300, %dma_wait3A_301] : memref<4x256x32xf32, #tpu.memory_space<vmem>> -> memref<1x256x32xf32, #tpu.memory_space<vmem>>
        %dma_wait3A_303 = tpu.memref_squeeze %dma_wait3A_302 : memref<1x256x32xf32, #tpu.memory_space<vmem>> -> memref<256x32xf32, #tpu.memory_space<vmem>>
        %dma_wait3A_304 = arith.constant 0 : i32
        %dma_wait3A_305 = arith.constant 0 : i32
        %dma_wait3A_306 = tpu.memref_slice %arg3[%dma_wait3A_304, %dma_wait3A_305] : memref<1000000x32xf32, #tpu.memory_space<hbm>> -> memref<256x32xf32, #tpu.memory_space<hbm>>
        %dma_wait3A_307 = arith.constant 0 : i32
        %dma_wait3A_308 = arith.constant 0 : i32
        %dma_wait3A_309 = tpu.memref_slice %arg6[%dma_wait3A_299, %dma_wait3A_307, %dma_wait3A_308] : memref<4x256x32xf32, #tpu.memory_space<vmem>> -> memref<1x256x32xf32, #tpu.memory_space<vmem>>
        %dma_wait3A_310 = tpu.memref_squeeze %dma_wait3A_309 : memref<1x256x32xf32, #tpu.memory_space<vmem>> -> memref<256x32xf32, #tpu.memory_space<vmem>>
        %dma_wait3A_311 = arith.constant 0 : i32
        %dma_wait3A_312 = arith.constant 0 : i32
        %dma_wait3A_313 = tpu.memref_slice %arg3[%dma_wait3A_311, %dma_wait3A_312] : memref<1000000x32xf32, #tpu.memory_space<hbm>> -> memref<256x32xf32, #tpu.memory_space<hbm>>
        tpu.wait_dma2 semaphore(%arg13 : memref<!tpu.dma_semaphore, #tpu.memory_space<semaphore_mem>>) src(%dma_wait3A_313 : memref<256x32xf32, #tpu.memory_space<hbm>>) dst(%dma_wait3A_310 : memref<256x32xf32, #tpu.memory_space<vmem>>)
        %add3A_314 = arith.constant 4 : i32
        %add3A_315 = arith.addi %add3A_220, %add3A_314 : i32
        %mul3A_316 = arith.constant 256 : i32
        %mul3A_317 = arith.muli %add3A_315, %mul3A_316 : i32
        %dma_start3A_318 = arith.constant 2 : i32
        %dma_start3A_319 = arith.constant 0 : i32
        %dma_start3A_320 = arith.constant 0 : i32
        %dma_start3A_321 = tpu.memref_slice %arg6[%dma_start3A_318, %dma_start3A_319, %dma_start3A_320] : memref<4x256x32xf32, #tpu.memory_space<vmem>> -> memref<1x256x32xf32, #tpu.memory_space<vmem>>
        %dma_start3A_322 = tpu.memref_squeeze %dma_start3A_321 : memref<1x256x32xf32, #tpu.memory_space<vmem>> -> memref<256x32xf32, #tpu.memory_space<vmem>>
        %dma_start3A_323 = tpu.memref_slice %arg5[%mul3A_317] : memref<6400xi32, #tpu.memory_space<vmem>> -> memref<256xi32, #tpu.memory_space<vmem>>
        %dma_start3A_324 = arith.constant 0 : i32
        %dma_start3A_325 = arith.constant 0 : i32
        %dma_start3A_326 = tpu.memref_slice %arg3[%dma_start3A_324, %dma_start3A_325] : memref<1000000x32xf32, #tpu.memory_space<hbm>> -> memref<1000000x32xf32, #tpu.memory_space<hbm>>
        tpu.enqueue_indirect_dma source(%dma_start3A_326 : memref<1000000x32xf32, #tpu.memory_space<hbm>>) target(%dma_start3A_322 : memref<256x32xf32, #tpu.memory_space<vmem>>) offsets(%dma_start3A_323 : memref<256xi32, #tpu.memory_space<vmem>>) semaphore(%arg9 : memref<!tpu.dma_semaphore, #tpu.memory_space<semaphore_mem>>)
      } else {
      }
      %add3A_259 = arith.constant 3 : i32
      %add3A_260 = arith.addi %mul3A_141, %add3A_259 : i32
      %dma_wait3A_261 = arith.constant 3 : i32
      %dma_wait3A_262 = arith.constant 0 : i32
      %dma_wait3A_263 = arith.constant 0 : i32
      %dma_wait3A_264 = tpu.memref_slice %arg6[%dma_wait3A_261, %dma_wait3A_262, %dma_wait3A_263] : memref<4x256x32xf32, #tpu.memory_space<vmem>> -> memref<1x256x32xf32, #tpu.memory_space<vmem>>
      %dma_wait3A_265 = tpu.memref_squeeze %dma_wait3A_264 : memref<1x256x32xf32, #tpu.memory_space<vmem>> -> memref<256x32xf32, #tpu.memory_space<vmem>>
      %dma_wait3A_266 = arith.constant 0 : i32
      %dma_wait3A_267 = arith.constant 0 : i32
      %dma_wait3A_268 = tpu.memref_slice %arg3[%dma_wait3A_266, %dma_wait3A_267] : memref<1000000x32xf32, #tpu.memory_space<hbm>> -> memref<256x32xf32, #tpu.memory_space<hbm>>
      %dma_wait3A_269 = arith.constant 0 : i32
      %dma_wait3A_270 = arith.constant 0 : i32
      %dma_wait3A_271 = tpu.memref_slice %arg6[%dma_wait3A_261, %dma_wait3A_269, %dma_wait3A_270] : memref<4x256x32xf32, #tpu.memory_space<vmem>> -> memref<1x256x32xf32, #tpu.memory_space<vmem>>
      %dma_wait3A_272 = tpu.memref_squeeze %dma_wait3A_271 : memref<1x256x32xf32, #tpu.memory_space<vmem>> -> memref<256x32xf32, #tpu.memory_space<vmem>>
      %dma_wait3A_273 = arith.constant 0 : i32
      %dma_wait3A_274 = arith.constant 0 : i32
      %dma_wait3A_275 = tpu.memref_slice %arg3[%dma_wait3A_273, %dma_wait3A_274] : memref<1000000x32xf32, #tpu.memory_space<hbm>> -> memref<256x32xf32, #tpu.memory_space<hbm>>
      tpu.wait_dma2 semaphore(%arg10 : memref<!tpu.dma_semaphore, #tpu.memory_space<semaphore_mem>>) src(%dma_wait3A_275 : memref<256x32xf32, #tpu.memory_space<hbm>>) dst(%dma_wait3A_272 : memref<256x32xf32, #tpu.memory_space<vmem>>)
      %mul3A_276 = arith.constant 256 : i32
      %mul3A_277 = arith.muli %add3A_260, %mul3A_276 : i32
      %add3A_278 = arith.addi %mul3A_2, %mul3A_277 : i32
      %dma_start3A_279 = arith.constant 3 : i32
      %dma_start3A_280 = arith.constant 0 : i32
      %dma_start3A_281 = arith.constant 0 : i32
      %dma_start3A_282 = tpu.memref_slice %arg6[%dma_start3A_279, %dma_start3A_280, %dma_start3A_281] : memref<4x256x32xf32, #tpu.memory_space<vmem>> -> memref<1x256x32xf32, #tpu.memory_space<vmem>>
      %dma_start3A_283 = tpu.memref_squeeze %dma_start3A_282 : memref<1x256x32xf32, #tpu.memory_space<vmem>> -> memref<256x32xf32, #tpu.memory_space<vmem>>
      %dma_start3A_284 = arith.constant 0 : i32
      %dma_start3A_285 = tpu.memref_slice %arg4[%add3A_278, %dma_start3A_284] : memref<204800x32xf32, #tpu.memory_space<hbm>> -> memref<256x32xf32, #tpu.memory_space<hbm>>
      %dma_start3A_286 = arith.constant 0 : i32
      %dma_start3A_287 = tpu.memref_slice %arg4[%add3A_278, %dma_start3A_286] : memref<204800x32xf32, #tpu.memory_space<hbm>> -> memref<256x32xf32, #tpu.memory_space<hbm>>
      %dma_start3A_288 = arith.constant 0 : i32
      %dma_start3A_289 = arith.constant 0 : i32
      %dma_start3A_290 = tpu.memref_slice %arg6[%dma_start3A_279, %dma_start3A_288, %dma_start3A_289] : memref<4x256x32xf32, #tpu.memory_space<vmem>> -> memref<1x256x32xf32, #tpu.memory_space<vmem>>
      %dma_start3A_291 = tpu.memref_squeeze %dma_start3A_290 : memref<1x256x32xf32, #tpu.memory_space<vmem>> -> memref<256x32xf32, #tpu.memory_space<vmem>>
      tpu.enqueue_dma source(%dma_start3A_291 : memref<256x32xf32, #tpu.memory_space<vmem>>) target(%dma_start3A_287 : memref<256x32xf32, #tpu.memory_space<hbm>>) target_semaphore(%arg14 : memref<!tpu.dma_semaphore, #tpu.memory_space<semaphore_mem>>)
      %add3A_292 = arith.constant 4 : i32
      %add3A_293 = arith.addi %add3A_260, %add3A_292 : i32
      %lt3A_294 = arith.constant 25 : i32
      %lt3A_295 = arith.cmpi slt, %add3A_293, %lt3A_294 : i32
      %convert_element_type3A_296 = arith.extui %lt3A_295 : i1 to i32
      %cond3A_297 = arith.constant 0 : i32
      %cond3A_298 = arith.cmpi ne, %convert_element_type3A_296, %cond3A_297 : i32
      scf.if %cond3A_298 {
        %dma_wait3A_299 = arith.constant 3 : i32
        %dma_wait3A_300 = arith.constant 0 : i32
        %dma_wait3A_301 = arith.constant 0 : i32
        %dma_wait3A_302 = tpu.memref_slice %arg6[%dma_wait3A_299, %dma_wait3A_300, %dma_wait3A_301] : memref<4x256x32xf32, #tpu.memory_space<vmem>> -> memref<1x256x32xf32, #tpu.memory_space<vmem>>
        %dma_wait3A_303 = tpu.memref_squeeze %dma_wait3A_302 : memref<1x256x32xf32, #tpu.memory_space<vmem>> -> memref<256x32xf32, #tpu.memory_space<vmem>>
        %dma_wait3A_304 = arith.constant 0 : i32
        %dma_wait3A_305 = arith.constant 0 : i32
        %dma_wait3A_306 = tpu.memref_slice %arg3[%dma_wait3A_304, %dma_wait3A_305] : memref<1000000x32xf32, #tpu.memory_space<hbm>> -> memref<256x32xf32, #tpu.memory_space<hbm>>
        %dma_wait3A_307 = arith.constant 0 : i32
        %dma_wait3A_308 = arith.constant 0 : i32
        %dma_wait3A_309 = tpu.memref_slice %arg6[%dma_wait3A_299, %dma_wait3A_307, %dma_wait3A_308] : memref<4x256x32xf32, #tpu.memory_space<vmem>> -> memref<1x256x32xf32, #tpu.memory_space<vmem>>
        %dma_wait3A_310 = tpu.memref_squeeze %dma_wait3A_309 : memref<1x256x32xf32, #tpu.memory_space<vmem>> -> memref<256x32xf32, #tpu.memory_space<vmem>>
        %dma_wait3A_311 = arith.constant 0 : i32
        %dma_wait3A_312 = arith.constant 0 : i32
        %dma_wait3A_313 = tpu.memref_slice %arg3[%dma_wait3A_311, %dma_wait3A_312] : memref<1000000x32xf32, #tpu.memory_space<hbm>> -> memref<256x32xf32, #tpu.memory_space<hbm>>
        tpu.wait_dma2 semaphore(%arg14 : memref<!tpu.dma_semaphore, #tpu.memory_space<semaphore_mem>>) src(%dma_wait3A_313 : memref<256x32xf32, #tpu.memory_space<hbm>>) dst(%dma_wait3A_310 : memref<256x32xf32, #tpu.memory_space<vmem>>)
        %add3A_314 = arith.constant 4 : i32
        %add3A_315 = arith.addi %add3A_260, %add3A_314 : i32
        %mul3A_316 = arith.constant 256 : i32
        %mul3A_317 = arith.muli %add3A_315, %mul3A_316 : i32
        %dma_start3A_318 = arith.constant 3 : i32
        %dma_start3A_319 = arith.constant 0 : i32
        %dma_start3A_320 = arith.constant 0 : i32
        %dma_start3A_321 = tpu.memref_slice %arg6[%dma_start3A_318, %dma_start3A_319, %dma_start3A_320] : memref<4x256x32xf32, #tpu.memory_space<vmem>> -> memref<1x256x32xf32, #tpu.memory_space<vmem>>
        %dma_start3A_322 = tpu.memref_squeeze %dma_start3A_321 : memref<1x256x32xf32, #tpu.memory_space<vmem>> -> memref<256x32xf32, #tpu.memory_space<vmem>>
        %dma_start3A_323 = tpu.memref_slice %arg5[%mul3A_317] : memref<6400xi32, #tpu.memory_space<vmem>> -> memref<256xi32, #tpu.memory_space<vmem>>
        %dma_start3A_324 = arith.constant 0 : i32
        %dma_start3A_325 = arith.constant 0 : i32
        %dma_start3A_326 = tpu.memref_slice %arg3[%dma_start3A_324, %dma_start3A_325] : memref<1000000x32xf32, #tpu.memory_space<hbm>> -> memref<1000000x32xf32, #tpu.memory_space<hbm>>
        tpu.enqueue_indirect_dma source(%dma_start3A_326 : memref<1000000x32xf32, #tpu.memory_space<hbm>>) target(%dma_start3A_322 : memref<256x32xf32, #tpu.memory_space<vmem>>) offsets(%dma_start3A_323 : memref<256xi32, #tpu.memory_space<vmem>>) semaphore(%arg10 : memref<!tpu.dma_semaphore, #tpu.memory_space<semaphore_mem>>)
      } else {
      }
    }
    %scan3A_45 = arith.constant 6 : i32
    %dma_wait3A = arith.constant 0 : i32
    %dma_wait3A_46 = arith.constant 0 : i32
    %dma_wait3A_47 = arith.constant 0 : i32
    %dma_wait3A_48 = tpu.memref_slice %arg6[%dma_wait3A, %dma_wait3A_46, %dma_wait3A_47] : memref<4x256x32xf32, #tpu.memory_space<vmem>> -> memref<1x256x32xf32, #tpu.memory_space<vmem>>
    %dma_wait3A_49 = tpu.memref_squeeze %dma_wait3A_48 : memref<1x256x32xf32, #tpu.memory_space<vmem>> -> memref<256x32xf32, #tpu.memory_space<vmem>>
    %dma_wait3A_50 = arith.constant 0 : i32
    %dma_wait3A_51 = arith.constant 0 : i32
    %dma_wait3A_52 = tpu.memref_slice %arg3[%dma_wait3A_50, %dma_wait3A_51] : memref<1000000x32xf32, #tpu.memory_space<hbm>> -> memref<256x32xf32, #tpu.memory_space<hbm>>
    %dma_wait3A_53 = arith.constant 0 : i32
    %dma_wait3A_54 = arith.constant 0 : i32
    %dma_wait3A_55 = tpu.memref_slice %arg6[%dma_wait3A, %dma_wait3A_53, %dma_wait3A_54] : memref<4x256x32xf32, #tpu.memory_space<vmem>> -> memref<1x256x32xf32, #tpu.memory_space<vmem>>
    %dma_wait3A_56 = tpu.memref_squeeze %dma_wait3A_55 : memref<1x256x32xf32, #tpu.memory_space<vmem>> -> memref<256x32xf32, #tpu.memory_space<vmem>>
    %dma_wait3A_57 = arith.constant 0 : i32
    %dma_wait3A_58 = arith.constant 0 : i32
    %dma_wait3A_59 = tpu.memref_slice %arg3[%dma_wait3A_57, %dma_wait3A_58] : memref<1000000x32xf32, #tpu.memory_space<hbm>> -> memref<256x32xf32, #tpu.memory_space<hbm>>
    tpu.wait_dma2 semaphore(%arg7 : memref<!tpu.dma_semaphore, #tpu.memory_space<semaphore_mem>>) src(%dma_wait3A_59 : memref<256x32xf32, #tpu.memory_space<hbm>>) dst(%dma_wait3A_56 : memref<256x32xf32, #tpu.memory_space<vmem>>)
    %add3A_60 = arith.constant 6144 : i32
    %add3A_61 = arith.addi %mul3A_2, %add3A_60 : i32
    %dma_start3A_62 = arith.constant 0 : i32
    %dma_start3A_63 = arith.constant 0 : i32
    %dma_start3A_64 = arith.constant 0 : i32
    %dma_start3A_65 = tpu.memref_slice %arg6[%dma_start3A_62, %dma_start3A_63, %dma_start3A_64] : memref<4x256x32xf32, #tpu.memory_space<vmem>> -> memref<1x256x32xf32, #tpu.memory_space<vmem>>
    %dma_start3A_66 = tpu.memref_squeeze %dma_start3A_65 : memref<1x256x32xf32, #tpu.memory_space<vmem>> -> memref<256x32xf32, #tpu.memory_space<vmem>>
    %dma_start3A_67 = arith.constant 0 : i32
    %dma_start3A_68 = tpu.memref_slice %arg4[%add3A_61, %dma_start3A_67] : memref<204800x32xf32, #tpu.memory_space<hbm>> -> memref<256x32xf32, #tpu.memory_space<hbm>>
    %dma_start3A_69 = arith.constant 0 : i32
    %dma_start3A_70 = tpu.memref_slice %arg4[%add3A_61, %dma_start3A_69] : memref<204800x32xf32, #tpu.memory_space<hbm>> -> memref<256x32xf32, #tpu.memory_space<hbm>>
    %dma_start3A_71 = arith.constant 0 : i32
    %dma_start3A_72 = arith.constant 0 : i32
    %dma_start3A_73 = tpu.memref_slice %arg6[%dma_start3A_62, %dma_start3A_71, %dma_start3A_72] : memref<4x256x32xf32, #tpu.memory_space<vmem>> -> memref<1x256x32xf32, #tpu.memory_space<vmem>>
    %dma_start3A_74 = tpu.memref_squeeze %dma_start3A_73 : memref<1x256x32xf32, #tpu.memory_space<vmem>> -> memref<256x32xf32, #tpu.memory_space<vmem>>
    tpu.enqueue_dma source(%dma_start3A_74 : memref<256x32xf32, #tpu.memory_space<vmem>>) target(%dma_start3A_70 : memref<256x32xf32, #tpu.memory_space<hbm>>) target_semaphore(%arg11 : memref<!tpu.dma_semaphore, #tpu.memory_space<semaphore_mem>>)
    %dma_wait3A_75 = arith.constant 0 : i32
    %dma_wait3A_76 = arith.constant 0 : i32
    %dma_wait3A_77 = arith.constant 0 : i32
    %dma_wait3A_78 = tpu.memref_slice %arg6[%dma_wait3A_75, %dma_wait3A_76, %dma_wait3A_77] : memref<4x256x32xf32, #tpu.memory_space<vmem>> -> memref<1x256x32xf32, #tpu.memory_space<vmem>>
    %dma_wait3A_79 = tpu.memref_squeeze %dma_wait3A_78 : memref<1x256x32xf32, #tpu.memory_space<vmem>> -> memref<256x32xf32, #tpu.memory_space<vmem>>
    %dma_wait3A_80 = arith.constant 0 : i32
    %dma_wait3A_81 = arith.constant 0 : i32
    %dma_wait3A_82 = tpu.memref_slice %arg3[%dma_wait3A_80, %dma_wait3A_81] : memref<1000000x32xf32, #tpu.memory_space<hbm>> -> memref<256x32xf32, #tpu.memory_space<hbm>>
    %dma_wait3A_83 = arith.constant 0 : i32
    %dma_wait3A_84 = arith.constant 0 : i32
    %dma_wait3A_85 = tpu.memref_slice %arg6[%dma_wait3A_75, %dma_wait3A_83, %dma_wait3A_84] : memref<4x256x32xf32, #tpu.memory_space<vmem>> -> memref<1x256x32xf32, #tpu.memory_space<vmem>>
    %dma_wait3A_86 = tpu.memref_squeeze %dma_wait3A_85 : memref<1x256x32xf32, #tpu.memory_space<vmem>> -> memref<256x32xf32, #tpu.memory_space<vmem>>
    %dma_wait3A_87 = arith.constant 0 : i32
    %dma_wait3A_88 = arith.constant 0 : i32
    %dma_wait3A_89 = tpu.memref_slice %arg3[%dma_wait3A_87, %dma_wait3A_88] : memref<1000000x32xf32, #tpu.memory_space<hbm>> -> memref<256x32xf32, #tpu.memory_space<hbm>>
    tpu.wait_dma2 semaphore(%arg11 : memref<!tpu.dma_semaphore, #tpu.memory_space<semaphore_mem>>) src(%dma_wait3A_89 : memref<256x32xf32, #tpu.memory_space<hbm>>) dst(%dma_wait3A_86 : memref<256x32xf32, #tpu.memory_space<vmem>>)
    %dma_wait3A_90 = arith.constant 1 : i32
    %dma_wait3A_91 = arith.constant 0 : i32
    %dma_wait3A_92 = arith.constant 0 : i32
    %dma_wait3A_93 = tpu.memref_slice %arg6[%dma_wait3A_90, %dma_wait3A_91, %dma_wait3A_92] : memref<4x256x32xf32, #tpu.memory_space<vmem>> -> memref<1x256x32xf32, #tpu.memory_space<vmem>>
    %dma_wait3A_94 = tpu.memref_squeeze %dma_wait3A_93 : memref<1x256x32xf32, #tpu.memory_space<vmem>> -> memref<256x32xf32, #tpu.memory_space<vmem>>
    %dma_wait3A_95 = arith.constant 0 : i32
    %dma_wait3A_96 = arith.constant 0 : i32
    %dma_wait3A_97 = tpu.memref_slice %arg3[%dma_wait3A_95, %dma_wait3A_96] : memref<1000000x32xf32, #tpu.memory_space<hbm>> -> memref<256x32xf32, #tpu.memory_space<hbm>>
    %dma_wait3A_98 = arith.constant 0 : i32
    %dma_wait3A_99 = arith.constant 0 : i32
    %dma_wait3A_100 = tpu.memref_slice %arg6[%dma_wait3A_90, %dma_wait3A_98, %dma_wait3A_99] : memref<4x256x32xf32, #tpu.memory_space<vmem>> -> memref<1x256x32xf32, #tpu.memory_space<vmem>>
    %dma_wait3A_101 = tpu.memref_squeeze %dma_wait3A_100 : memref<1x256x32xf32, #tpu.memory_space<vmem>> -> memref<256x32xf32, #tpu.memory_space<vmem>>
    %dma_wait3A_102 = arith.constant 0 : i32
    %dma_wait3A_103 = arith.constant 0 : i32
    %dma_wait3A_104 = tpu.memref_slice %arg3[%dma_wait3A_102, %dma_wait3A_103] : memref<1000000x32xf32, #tpu.memory_space<hbm>> -> memref<256x32xf32, #tpu.memory_space<hbm>>
    tpu.wait_dma2 semaphore(%arg12 : memref<!tpu.dma_semaphore, #tpu.memory_space<semaphore_mem>>) src(%dma_wait3A_104 : memref<256x32xf32, #tpu.memory_space<hbm>>) dst(%dma_wait3A_101 : memref<256x32xf32, #tpu.memory_space<vmem>>)
    %dma_wait3A_105 = arith.constant 2 : i32
    %dma_wait3A_106 = arith.constant 0 : i32
    %dma_wait3A_107 = arith.constant 0 : i32
    %dma_wait3A_108 = tpu.memref_slice %arg6[%dma_wait3A_105, %dma_wait3A_106, %dma_wait3A_107] : memref<4x256x32xf32, #tpu.memory_space<vmem>> -> memref<1x256x32xf32, #tpu.memory_space<vmem>>
    %dma_wait3A_109 = tpu.memref_squeeze %dma_wait3A_108 : memref<1x256x32xf32, #tpu.memory_space<vmem>> -> memref<256x32xf32, #tpu.memory_space<vmem>>
    %dma_wait3A_110 = arith.constant 0 : i32
    %dma_wait3A_111 = arith.constant 0 : i32
    %dma_wait3A_112 = tpu.memref_slice %arg3[%dma_wait3A_110, %dma_wait3A_111] : memref<1000000x32xf32, #tpu.memory_space<hbm>> -> memref<256x32xf32, #tpu.memory_space<hbm>>
    %dma_wait3A_113 = arith.constant 0 : i32
    %dma_wait3A_114 = arith.constant 0 : i32
    %dma_wait3A_115 = tpu.memref_slice %arg6[%dma_wait3A_105, %dma_wait3A_113, %dma_wait3A_114] : memref<4x256x32xf32, #tpu.memory_space<vmem>> -> memref<1x256x32xf32, #tpu.memory_space<vmem>>
    %dma_wait3A_116 = tpu.memref_squeeze %dma_wait3A_115 : memref<1x256x32xf32, #tpu.memory_space<vmem>> -> memref<256x32xf32, #tpu.memory_space<vmem>>
    %dma_wait3A_117 = arith.constant 0 : i32
    %dma_wait3A_118 = arith.constant 0 : i32
    %dma_wait3A_119 = tpu.memref_slice %arg3[%dma_wait3A_117, %dma_wait3A_118] : memref<1000000x32xf32, #tpu.memory_space<hbm>> -> memref<256x32xf32, #tpu.memory_space<hbm>>
    tpu.wait_dma2 semaphore(%arg13 : memref<!tpu.dma_semaphore, #tpu.memory_space<semaphore_mem>>) src(%dma_wait3A_119 : memref<256x32xf32, #tpu.memory_space<hbm>>) dst(%dma_wait3A_116 : memref<256x32xf32, #tpu.memory_space<vmem>>)
    %dma_wait3A_120 = arith.constant 3 : i32
    %dma_wait3A_121 = arith.constant 0 : i32
    %dma_wait3A_122 = arith.constant 0 : i32
    %dma_wait3A_123 = tpu.memref_slice %arg6[%dma_wait3A_120, %dma_wait3A_121, %dma_wait3A_122] : memref<4x256x32xf32, #tpu.memory_space<vmem>> -> memref<1x256x32xf32, #tpu.memory_space<vmem>>
    %dma_wait3A_124 = tpu.memref_squeeze %dma_wait3A_123 : memref<1x256x32xf32, #tpu.memory_space<vmem>> -> memref<256x32xf32, #tpu.memory_space<vmem>>
    %dma_wait3A_125 = arith.constant 0 : i32
    %dma_wait3A_126 = arith.constant 0 : i32
    %dma_wait3A_127 = tpu.memref_slice %arg3[%dma_wait3A_125, %dma_wait3A_126] : memref<1000000x32xf32, #tpu.memory_space<hbm>> -> memref<256x32xf32, #tpu.memory_space<hbm>>
    %dma_wait3A_128 = arith.constant 0 : i32
    %dma_wait3A_129 = arith.constant 0 : i32
    %dma_wait3A_130 = tpu.memref_slice %arg6[%dma_wait3A_120, %dma_wait3A_128, %dma_wait3A_129] : memref<4x256x32xf32, #tpu.memory_space<vmem>> -> memref<1x256x32xf32, #tpu.memory_space<vmem>>
    %dma_wait3A_131 = tpu.memref_squeeze %dma_wait3A_130 : memref<1x256x32xf32, #tpu.memory_space<vmem>> -> memref<256x32xf32, #tpu.memory_space<vmem>>
    %dma_wait3A_132 = arith.constant 0 : i32
    %dma_wait3A_133 = arith.constant 0 : i32
    %dma_wait3A_134 = tpu.memref_slice %arg3[%dma_wait3A_132, %dma_wait3A_133] : memref<1000000x32xf32, #tpu.memory_space<hbm>> -> memref<256x32xf32, #tpu.memory_space<hbm>>
    tpu.wait_dma2 semaphore(%arg14 : memref<!tpu.dma_semaphore, #tpu.memory_space<semaphore_mem>>) src(%dma_wait3A_134 : memref<256x32xf32, #tpu.memory_space<hbm>>) dst(%dma_wait3A_131 : memref<256x32xf32, #tpu.memory_space<vmem>>)
    return
  }
}

</mosaic_0001>

<sc_bundles>
// kernel: _sc_gather.3.cloned.1.call-start
scs
__scs_entry_jumppad:
0x0: {  	(pc) =	sbr.rel $0x88, $3  }
0x1: {  	(tag) =	ssettag $0x0;
	lr =	simm.s32 $0x1  }
0x2: {  	[smem:$0x3F9F] =	sst lr;
	_ =	strace $0xD0000000  }
0x3: {  	_ = 	snop  }
0x4: {  	_ = 	snop  }
0x5: {  	_ = 	snop  }
0x6: {  	_ = 	snop  }
0x7: {  	_ = 	snop  }
__scs_overlays_trampoline_lowered:
0x8: {  	[smem:$0x3FAE] =	sst s0  }
0x9: {  	[smem:$0x3FAF] =	sst s1  }
0xa: {  	[smem:$0x3FB0] =	sst s2  }
0xb: {  	[smem:$0x3FB1] =	sst s3  }
0xc: {  	[smem:$0x3FB2] =	sst s4  }
0xd: {  	[smem:$0x3FB3] =	sst s5  }
0xe: {  	[smem:$0x3FB4] =	sst s6  }
0xf: {  	[smem:$0x3FB5] =	sst s7  }
0x10: {  	[smem:$0x3FB6] =	sst s8  }
0x11: {  	[smem:$0x3FB7] =	sst s9;
	s0 =	simm.s32 @!p0 $0x0  }
0x12: {  	s1 =	sld [smem:$0x3F9D];
	s0 =	simm.s32 @p0 $0x1  }
0x13: {  	[smem:$0x3FB8] =	sst s0;
	s0 =	simm.s32 @!p1 $0x0  }
0x14: {  	s2 =	sld [smem:$0x3F9C];
	s0 =	simm.s32 @p1 $0x1  }
0x15: {  	[smem:$0x3FB9] =	sst s0;
	s0 =	simm.s32 @!p2 $0x0  }
0x16: {  	s3 =	sld [smem:$0x3FDB];
	s0 =	simm.s32 @p2 $0x1  }
0x17: {  	s4 =	simm.s32 $0x1BF5;
	[smem:$0x3FBB] =	sst s0  }
0x18: {  	s0 =	sld [smem:$0x3F9E];
	_ =	swait.ge [sflag:s4], $0x0  }
0x19: {  	s7 =	sld [smem:$0x3F9F]  }
0x1a: {  	s8 =	sadd.s32 $0xFFFFE003, lr  }
0x1b: {  	s9 =	sadd.s32 $0xFFFFFEF7, lr;
	s5 =	simm.s32 $0xFFFFFFFF;
	p2 =	slt.u32 s8, $0xFFFFF086  }
0x1c: {  	p1 =	slt.u32 s9, $0xF7A;
	s5 =	simm.s32 @!p2 $0x0  }
0x1d: {  	s5 =	simm.s32 @p1 $0x1;
	p0 =	seq.s32 s7, s2  }
0x1e: {  	s7 =	smul.u32 @!p0 $0xF7A, s2;
	p2 =	seq.s32 @!p0 s5, $0x0  }
0x1f: {  	s9 =	smul.u32 $0xF7A, s1;
	s8 =	simm.s32 @!p0 $0x1BF5;
	p2 =	por !p2, p0  }
0x20: {  	[sflag:s8] =	ssyncset.s32 @!p0 $0xFFFFF086;
	s6 =	sadd.s32 @!p0 s3, s7;
	s7 =	simm.s32 @!p0 $0x108  }
0x21: {  	s3 =	sadd.s32 s3, s9;
	s6 =	sadd.s32 @!p0 $0x88, s6;
	s7 =	simm.s32 @p2 $0x1082  }
0x22: {  	[simem:s7], [sflag:s8] =	dma.local @!p0 [hbm:s6], $0xF7A  }
0x23: {  	s9 =	sor.u32 $0xD0000000, s2;
	s6 =	simm.s32 $0x108;
	_ =	swait.ge @!p0 [sflag:s8], $0x0  }
0x24: {  	s3 =	sadd.s32 $0x88, s3;
	s6 =	simm.s32 @!p1 $0x1082;
	[sflag:s4] =	ssyncset.s32 $0xFFFFF086  }
0x25: {  	[simem:s6], [sflag:s4] =	dma.local [hbm:s3], $0xF7A  }
0x26: {  	[smem:$0x3F9F] =	sst s1;
	(tag) =	ssettag s2;
	_ =	strace s9  }
0x27: {  	s1 =	sld [smem:$0x3FAF]  }
0x28: {  	s2 =	sld [smem:$0x3FB0]  }
0x29: {  	s4 =	sld [smem:$0x3FB2]  }
0x2a: {  	p0 =	seq.s32 s5, $0x0;
	s5 =	sld [smem:$0x3FB3]  }
0x2b: {  	s6 =	sld [smem:$0x3FB4]  }
0x2c: {  	s7 =	sld [smem:$0x3FB5]  }
0x2d: {  	s3 =	simm.s32 $0x108;
	s8 =	sld [smem:$0x3FB6]  }
0x2e: {  	s3 =	simm.s32 @!p0 $0x1082;
	s9 =	sld [smem:$0x3FB7]  }
0x2f: {  	lr =	sadd.s32 s0, s3;
	s0 =	sld [smem:$0x3FAE]  }
0x30: {  	s3 =	sld [smem:$0x3FB1]  }
0x31: {  	[smem:$0x3FBA] =	sst s10  }
0x32: {  	s10 =	sld [smem:$0x3FB8];
	_ =	sdelay $0x3  }
0x33: {  	p0 =	seq.s32 s10, $0x1;
	s10 =	sld [smem:$0x3FBA];
	_ =	sdelay $0x3  }
0x34: {  	[smem:$0x3FBA] =	sst s10  }
0x35: {  	s10 =	sld [smem:$0x3FB9];
	_ =	sdelay $0x3  }
0x36: {  	p1 =	seq.s32 s10, $0x1;
	s10 =	sld [smem:$0x3FBA];
	_ =	sdelay $0x3  }
0x37: {  	[smem:$0x3FBA] =	sst s10  }
0x38: {  	s10 =	sld [smem:$0x3FBB]  }
0x39: {  	_ = 	snop;
	(pc) =	sbr.ind lr, $3  }
0x3a: {  	_ = 	snop  }
0x3b: {  	_ = 	snop  }
0x3c: {  	p2 =	seq.s32 s10, $0x1;
	s10 =	sld [smem:$0x3FBA]  }
0x3d: {  	_ =	shalt  }
0x3e: {  	_ =	shalt  }
0x3f: {  	_ =	shalt  }
0x40: {  	_ =	shalt  }
0x41: {  	_ =	shalt  }
0x42: {  	_ =	shalt  }
0x43: {  	_ =	shalt  }
0x44: {  	_ =	shalt  }
0x45: {  	_ =	shalt  }
0x46: {  	_ =	shalt  }
0x47: {  	_ =	shalt  }
0x48: {  	_ =	shalt  }
0x49: {  	_ =	shalt  }
0x4a: {  	_ =	shalt  }
0x4b: {  	_ =	shalt  }
0x4c: {  	_ =	shalt  }
0x4d: {  	_ =	shalt  }
0x4e: {  	_ =	shalt  }
0x4f: {  	_ =	shalt  }
0x50: {  	_ =	shalt  }
0x51: {  	_ =	shalt  }
0x52: {  	_ =	shalt  }
0x53: {  	_ =	shalt  }
0x54: {  	_ =	shalt  }
0x55: {  	_ =	shalt  }
0x56: {  	_ =	shalt  }
0x57: {  	_ =	shalt  }
0x58: {  	_ =	shalt  }
0x59: {  	_ =	shalt  }
0x5a: {  	_ =	shalt  }
0x5b: {  	_ =	shalt  }
0x5c: {  	_ =	shalt  }
0x5d: {  	_ =	shalt  }
0x5e: {  	_ =	shalt  }
0x5f: {  	_ =	shalt  }
0x60: {  	_ =	shalt  }
0x61: {  	_ =	shalt  }
0x62: {  	_ =	shalt  }
0x63: {  	_ =	shalt  }
0x64: {  	_ =	shalt  }
0x65: {  	_ =	shalt  }
0x66: {  	_ =	shalt  }
0x67: {  	_ =	shalt  }
0x68: {  	_ =	shalt  }
0x69: {  	_ =	shalt  }
0x6a: {  	_ =	shalt  }
0x6b: {  	_ =	shalt  }
0x6c: {  	_ =	shalt  }
0x6d: {  	_ =	shalt  }
0x6e: {  	_ =	shalt  }
0x6f: {  	_ =	shalt  }
0x70: {  	_ =	shalt  }
0x71: {  	_ =	shalt  }
0x72: {  	_ =	shalt  }
0x73: {  	_ =	shalt  }
0x74: {  	_ =	shalt  }
0x75: {  	_ =	shalt  }
0x76: {  	_ =	shalt  }
0x77: {  	_ =	shalt  }
0x78: {  	_ =	shalt  }
0x79: {  	_ =	shalt  }
0x7a: {  	_ =	shalt  }
0x7b: {  	_ =	shalt  }
0x7c: {  	_ =	shalt  }
0x7d: {  	_ =	shalt  }
0x7e: {  	_ =	shalt  }
0x7f: {  	_ =	shalt  }
0x80: {  	_ =	shalt  }
0x81: {  	_ =	shalt  }
0x82: {  	_ =	shalt  }
0x83: {  	_ =	shalt  }
0x84: {  	_ =	shalt  }
0x85: {  	_ =	shalt  }
0x86: {  	_ =	shalt  }
0x87: {  	_ =	shalt  }
.Lfunc_end0:
.L_simem_size_0:
called_computation_lowered:
.L_overlay_start_0:
0x88: {  	s2 =	sld [smem:$0x3FD9]  }
0x89: {  	s3 =	sld [smem:$0x3FFE];
	_ =	sdelay $0x1  }
0x8a: {  	s1 =	srdreg.scid  }
0x8b: {  	s0 =	sand.u32 $0x1, s1  }
0x8c: {  	s17 =	sshll.u32 s0, $0xA;
	s2 =	sadd.s32 s3, s2  }
0x8d: {  	s2 =	sadd.s32 s2, s17  }
0x8e: {  	[smem:$0x3FC6] =	sst s2  }
0x8f: {  	_ = 	snop  }
0x90: {  	s2 =	sld [smem:$0x3FC9]  }
0x91: {  	s18 =	sld [smem:$0x3FD0];
	(tm) =	ssettm $0x1  }
0x92: {  	s4 =	sld [smem:$0x3FFB];
	_ =	sdelay $0x3  }
0x93: {  	_ =	strace s4  }
0x94: {  	s4 =	sld [smem:$0x3FFC];
	_ =	sdelay $0x3  }
0x95: {  	_ =	strace s4  }
0x96: {  	s4 =	sld [smem:$0x3FFD];
	_ =	sdelay $0x3  }
0x97: {  	_ =	strace s4  }
0x98: {  	_ =	strace $0x8FFFFFFF  }
0x99: {  	s19 =	sld [smem:$0x3FDB];
	_ =	sdelay $0x1  }
0x9a: {  	s5 =	simm.s32 $_scs_section_size  }
0x9b: {  	s6 =	simm.s32 $_size__tile_overlayer_lowered;
	s7 =	simm.s32 $_tile_overlayer_lowered  }
0x9c: {  	s22 =	simm.s32 $0x1BFF;
	s21 =	sshll.u32 s7, $0x1;
	s4 =	sadd.s32 s5, s19  }
0x9d: {  	s8 =	simm.s32 $0x0;
	s20 =	sshll.u32 s6, $0x1;
	s6 =	sadd.s32 s21, s4  }
0x9e: {  	[timem:s8], [sflag:s22] =	dma.local [hbm:s6], s20  }
0x9f: {  	_ =	swait.ge [sflag:s22], s20  }
0xa0: {  	s5 =	ssub.s32 $0x0, s20;
	[sflag:s22] =	ssyncset.done $0x0  }
0xa1: {  	[sflag:s22] =	ssyncadd.s32 s5;
	_ =	sdelay $0x1  }
0xa2: {  	s23 =	simm.s32 $0x1B8B  }
0xa3: {  	_ =	swait.ge [sflag:s23], $0x1  }
0xa4: {  	[sflag:s23] =	ssyncset.done $0x0  }
0xa5: {  	s25 =	simm.s32 $0x1B8E;
	s24 =	sld [smem:$0x3FFE];
	[sflag:s23] =	ssyncadd.s32 $0xFFFFFFFF  }
0xa6: {  	s26 =	simm.s32 $execute0_lowered;
	[smem:$0x3FD2] =	sst s25  }
0xa7: {  	s6 =	sshll.u32 s26, $0x1;
	_ =	strace $0x80000046;
	[dreg:$0x1] =	wrdreg $0xFFFFFFFF  }
0xa8: {  	s28 =	simm.s32 $_size_execute0_lowered;
	s4 =	sadd.s32 s4, s6;
	[dreg:$0x0] =	wrdreg $0x0  }
0xa9: {  	s6 =	sshll.u32 s28, $0x1;
	[dreg:$0x2] =	wrdreg s4  }
0xaa: {  	[dreg:$0x3] =	wrdreg s6  }
0xab: {  	[dreg:$0x4] =	wrdreg $0xC0  }
0xac: {  	_ =	task [dreg:s8], $0x5FFFF  }
0xad: {  	[dreg:$0x1] =	wrdreg $0xFFFFFFFF  }
0xae: {  	[dreg:$0x0] =	wrdreg $0x60  }
0xaf: {  	[dreg:$0x2] =	wrdreg s2  }
0xb0: {  	[dreg:$0x3] =	wrdreg s24  }
0xb1: {  	[dreg:$0x4] =	wrdreg s18  }
0xb2: {  	[dreg:$0x5] =	wrdreg $0x9  }
0xb3: {  	_ =	task.clear_ibuf [dreg:s8], $0x6FFFF;
	_ =	strace $0x90000046  }
0xb4: {  	s29 =	simm.s32 $0x9;
	_ =	strace $0x80000048  }
0xb5: {  	_ =	swait.ge [sflag:s29], $0x1  }
0xb6: {  	[sflag:s29] =	ssyncadd.s32 $0xFFFFFFFF  }
0xb7: {  	_ =	strace $0x90000048  }
0xb8: {  	_ =	sfence  }
0xb9: {  	s30 =	sld [smem:$0x0];
	_ =	sdelay $0x2  }
0xba: {  	s31 =	sshll.u32 s1, $0xD;
	s1 =	sshrl.u32 s1, $0x2  }
0xbb: {  	s3 =	sand.u32 $0x4000, s31;
	s1 =	sadd.s32 s1, s30  }
0xbc: {  	s0 =	sor.u32 s3, s0;
	s1 =	sshll.u32 s1, $0x11  }
0xbd: {  	s0 =	sor.u32 s1, s0  }
0xbe: {  	s0 =	sadd.s32 $0x8F2B, s0  }
0xbf: {  	[sflag:s0] =	ssyncadd.remote.s32 $0x1  }
0xc0: {  	_ =	sfence.sel $0xFFFF  }
0xc1: {  	[dreg:$0x0] =	wrdreg $0xFFFFFFFF;
	(pc) =	sbr.abs _section_cstart, $3  }
0xc2: {  	[dreg:$0x1] =	wrdreg $0xFFFFFFFF  }
0xc3: {  	_ =	task.clear_ibuf [dreg:s8], $0x2FFFF;
	_ =	strace $0x9FFFFFFF  }
0xc4: {  	(tm) =	ssettm $0x7FFFFFFF  }
0xc5: {  	_ =	shalt  }
tec
execute0_lowered:
.L_overlay_start_1:
0x0: {  	(tag) =	ssettag $0x1  }
0x1: {  	s0 =	rddreg [dreg:$0x0];
	s1 =	srdreg.scid  }
0x2: {  	s13 =	stileid.u32;
	s3 =	rddreg [dreg:$0x1]  }
0x3: {  	s12 =	rddreg [dreg:$0x2];
	s15 =	simm.s32 $0x9;
	s16 =	simm.s32 $0x100  }
0x4: {  	s17 =	simm.s32 $0x1900;
	s18 =	simm.s32 $0x3900;
	s20 =	simm.s32 $0x5900  }
0x5: {  	s28 =	simm.s32 $0x3;
	s29 =	simm.s32 $0x7;
	s9 =	smul.u32 $0x64000, s13  }
0x6: {  	s1 =	sand.u32 $0x1, s1;
	s2 =	sshll.u32 s13, $0x1;
	s13 =	smul.u32 $0x3200, s13  }
0x7: {  	s30 =	simm.s32 $0x4;
	s31 =	simm.s32 $0x8;
	s10 =	smul.u32 $0x32000, s1  }
0x8: {  	s3 =	sadd.s32 $0xF42800, s3;
	s4 =	sor.u32 s1, s2;
	s24 =	smul.u32 $0x1900, s1  }
0x9: {  	s2 =	simm.s32 $0x0;
	s7 =	ssub.s32 $0x2, s1;
	s5 =	smul.u32 $0x1900, s4  }
0xa: {  	[smem:$0x7FF] =	sst s2;
	s6 =	smul.u32 $0x32000, s4;
	s22 =	sshrl.u32 s7, $0x1  }
0xb: {  	s8 =	smul.u32 $0x6400, s4;
	_ =	strace $0x80000047;
	s7 =	ssub.s32 s7, s22  }
0xc: {  	s10 =	sadd.s32 s10, s9;
	s22 =	simm.s32 $0x7900;
	s23 =	sshrl.u32 s6, $0x3  }
0xd: {  	s5 =	sshrl.u32 s5, $0x3;
	s6 =	smax.u32 s7, $0x1;
	s25 =	sadd.s32 s12, s8  }
0xe: {  	s26 =	sshrl.u32 s10, $0x3;
	s11 =	sadd.s32 s12, s23;
	s0 =	sadd.s32 s0, s5  }
0xf: {  	s8 =	sadd.s32 $0x5400, s25;
	s9 =	sadd.s32 $0x5800, s25;
	s10 =	sadd.s32 $0x5C00, s25  }
0x10: {  	s23 =	simm.s32 $0x1;
	[dreg:$0x4] =	wrdreg s0;
	s0 =	sadd.s32 s24, s13  }
0x11: {  	s25 =	simm.s32 $0x2;
	s5 =	sadd.s32 $0x6000, s11;
	s0 =	sshll.u32 s0, $0x2  }
0x12: {  	s7 =	sadd.s32 $0x5000, s11;
	s11 =	sadd.s32 s26, s12;
	s0 =	sadd.s32 s12, s0  }
0x13: {  	s24 =	simm.s32 $0x5;
	s26 =	simm.s32 $0x6;
	s12 =	sadd.s32 $0xC00, s0  }
0x14: {  	s13 =	sadd.s32 $0x800, s0;
	s14 =	sadd.s32 $0x400, s0;
	s0 =	simm.s32 $0x0  }
.LBB2_1:
0x15: {  	s1 =	rddreg [dreg:$0x4]  }
0x16: {  	[tilespmem:s2], [sflag:$0x9] =	stream.linear.gather [hbm4b:s1+s2], $0x1900, $0x38;
	[tilespmem:$0x9900] =	vst v63  }
0x17: {  	_ =	swait.ge [sflag:s15], $0x1900  }
0x18: {  	[sflag:s15] =	ssyncset.done $0x0  }
0x19: {  	[sflag:s15] =	ssyncadd.s32 $0xFFFFE700  }
0x1a: {  	[tilespmem:s17], [sflag:$0x1] =	stream.indirect.gather [hbm4b:s3+s16], $0x20, s2, s16, $0xb8;
	[tilespmem:$0x9900] =	vst v63  }
0x1b: {  	_ = 	snop  }
0x1c: {  	[tilespmem:s18], [sflag:$0x2] =	stream.indirect.gather [hbm4b:s3+s16], $0x20, s16, s16, $0xb8;
	[tilespmem:$0x9900] =	vst v63  }
0x1d: {  	s19 =	simm.s32 $0x200  }
0x1e: {  	[tilespmem:s20], [sflag:$0x3] =	stream.indirect.gather [hbm4b:s3+s16], $0x20, s19, s16, $0xb8;
	[tilespmem:$0x9900] =	vst v63  }
0x1f: {  	s21 =	simm.s32 $0x300  }
0x20: {  	[tilespmem:s22], [sflag:$0x4] =	stream.indirect.gather [hbm4b:s3+s16], $0x20, s21, s16, $0xb8;
	[tilespmem:$0x9900] =	vst v63  }
0x21: {  	_ =	swait.ge [sflag:s23], $0x2000  }
0x22: {  	[sflag:s23] =	ssyncset.done $0x0  }
0x23: {  	s19 =	sadd.s32 $0x0, s11;
	[sflag:s23] =	ssyncadd.s32 $0xFFFFE000  }
0x24: {  	[hbm4b:s19+s2] =	stream.linear.scatter [tilespmem:s17], [sflag:$0x5], $0x2000, $0x38;
	[tilespmem:$0x9900] =	vst v63  }
0x25: {  	_ =	swait.ge [sflag:s24], $0x2000  }
0x26: {  	[sflag:s24] =	ssyncset.done $0x0  }
0x27: {  	s1 =	simm.s32 $0x400;
	[sflag:s24] =	ssyncadd.s32 $0xFFFFE000  }
0x28: {  	[tilespmem:s17], [sflag:$0x1] =	stream.indirect.gather [hbm4b:s3+s16], $0x20, s1, s16, $0xb8;
	[tilespmem:$0x9900] =	vst v63  }
0x29: {  	_ =	swait.ge [sflag:s25], $0x2000  }
0x2a: {  	[sflag:s25] =	ssyncset.done $0x0  }
0x2b: {  	s4 =	sadd.s32 $0x0, s14;
	[sflag:s25] =	ssyncadd.s32 $0xFFFFE000  }
0x2c: {  	[hbm4b:s4+s2] =	stream.linear.scatter [tilespmem:s18], [sflag:$0x6], $0x2000, $0x38;
	[tilespmem:$0x9900] =	vst v63  }
0x2d: {  	_ =	swait.ge [sflag:s26], $0x2000  }
0x2e: {  	[sflag:s26] =	ssyncset.done $0x0  }
0x2f: {  	s21 =	simm.s32 $0x500;
	[sflag:s26] =	ssyncadd.s32 $0xFFFFE000  }
0x30: {  	[tilespmem:s18], [sflag:$0x2] =	stream.indirect.gather [hbm4b:s3+s16], $0x20, s21, s16, $0xb8;
	[tilespmem:$0x9900] =	vst v63  }
0x31: {  	_ =	swait.ge [sflag:s28], $0x2000  }
0x32: {  	[sflag:s28] =	ssyncset.done $0x0  }
0x33: {  	s1 =	sadd.s32 $0x0, s13;
	[sflag:s28] =	ssyncadd.s32 $0xFFFFE000  }
0x34: {  	[hbm4b:s1+s2] =	stream.linear.scatter [tilespmem:s20], [sflag:$0x7], $0x2000, $0x38;
	[tilespmem:$0x9900] =	vst v63  }
0x35: {  	_ =	swait.ge [sflag:s29], $0x2000  }
0x36: {  	[sflag:s29] =	ssyncset.done $0x0  }
0x37: {  	s4 =	simm.s32 $0x600;
	[sflag:s29] =	ssyncadd.s32 $0xFFFFE000  }
0x38: {  	[tilespmem:s20], [sflag:$0x3] =	stream.indirect.gather [hbm4b:s3+s16], $0x20, s4, s16, $0xb8;
	[tilespmem:$0x9900] =	vst v63  }
0x39: {  	_ =	swait.ge [sflag:s30], $0x2000  }
0x3a: {  	[sflag:s30] =	ssyncset.done $0x0  }
0x3b: {  	s21 =	sadd.s32 $0x0, s12;
	[sflag:s30] =	ssyncadd.s32 $0xFFFFE000  }
0x3c: {  	[hbm4b:s21+s2] =	stream.linear.scatter [tilespmem:s22], [sflag:$0x8], $0x2000, $0x38;
	[tilespmem:$0x9900] =	vst v63  }
0x3d: {  	_ =	swait.ge [sflag:s31], $0x2000  }
0x3e: {  	[sflag:s31] =	ssyncset.done $0x0  }
0x3f: {  	s19 =	simm.s32 $0x1000;
	s21 =	simm.s32 $0x700;
	[sflag:s31] =	ssyncadd.s32 $0xFFFFE000  }
.LBB2_2:
0x40: {  	[tilespmem:s22], [sflag:$0x4] =	stream.indirect.gather [hbm4b:s3+s16], $0x20, s21, s16, $0xb8;
	[tilespmem:$0x9900] =	vst v63  }
0x41: {  	s21 =	smov.u32 s19  }
0x42: {  	p0 =	sne.s32 s19, $0x4000;
	s19 =	sadd.s32 $0x1000, s19;
	_ =	swait.ge [sflag:s23], $0x2000  }
0x43: {  	[sflag:s23] =	ssyncset.done $0x0  }
0x44: {  	s1 =	sadd.s32 s21, s11;
	[sflag:s23] =	ssyncadd.s32 $0xFFFFE000  }
0x45: {  	[hbm4b:s1+s2] =	stream.linear.scatter [tilespmem:s17], [sflag:$0x5], $0x2000, $0x38;
	[tilespmem:$0x9900] =	vst v63  }
0x46: {  	_ =	swait.ge [sflag:s24], $0x2000  }
0x47: {  	s1 =	sshra.s32 s21, $0x2;
	[sflag:s24] =	ssyncset.done $0x0  }
0x48: {  	s4 =	sadd.s32 $0x400, s1;
	[sflag:s24] =	ssyncadd.s32 $0xFFFFE000  }
0x49: {  	[tilespmem:s17], [sflag:$0x1] =	stream.indirect.gather [hbm4b:s3+s16], $0x20, s4, s16, $0xb8;
	[tilespmem:$0x9900] =	vst v63  }
0x4a: {  	_ =	swait.ge [sflag:s25], $0x2000  }
0x4b: {  	[sflag:s25] =	ssyncset.done $0x0  }
0x4c: {  	s4 =	sadd.s32 s21, s14;
	[sflag:s25] =	ssyncadd.s32 $0xFFFFE000  }
0x4d: {  	[hbm4b:s4+s2] =	stream.linear.scatter [tilespmem:s18], [sflag:$0x6], $0x2000, $0x38;
	[tilespmem:$0x9900] =	vst v63  }
0x4e: {  	_ =	swait.ge [sflag:s26], $0x2000  }
0x4f: {  	[sflag:s26] =	ssyncset.done $0x0  }
0x50: {  	s4 =	sadd.s32 $0x500, s1;
	[sflag:s26] =	ssyncadd.s32 $0xFFFFE000  }
0x51: {  	[tilespmem:s18], [sflag:$0x2] =	stream.indirect.gather [hbm4b:s3+s16], $0x20, s4, s16, $0xb8;
	[tilespmem:$0x9900] =	vst v63  }
0x52: {  	_ =	swait.ge [sflag:s28], $0x2000  }
0x53: {  	[sflag:s28] =	ssyncset.done $0x0  }
0x54: {  	s4 =	sadd.s32 s21, s13;
	[sflag:s28] =	ssyncadd.s32 $0xFFFFE000  }
0x55: {  	[hbm4b:s4+s2] =	stream.linear.scatter [tilespmem:s20], [sflag:$0x7], $0x2000, $0x38;
	[tilespmem:$0x9900] =	vst v63  }
0x56: {  	_ =	swait.ge [sflag:s29], $0x2000  }
0x57: {  	[sflag:s29] =	ssyncset.done $0x0  }
0x58: {  	s4 =	sadd.s32 $0x600, s1;
	[sflag:s29] =	ssyncadd.s32 $0xFFFFE000  }
0x59: {  	[tilespmem:s20], [sflag:$0x3] =	stream.indirect.gather [hbm4b:s3+s16], $0x20, s4, s16, $0xb8;
	[tilespmem:$0x9900] =	vst v63  }
0x5a: {  	_ =	swait.ge [sflag:s30], $0x2000  }
0x5b: {  	[sflag:s30] =	ssyncset.done $0x0  }
.Ltmp0:
0x5c: {  	s4 =	sadd.s32 s21, s12;
	[sflag:s30] =	ssyncadd.s32 $0xFFFFE000;
	(pc) =	sbr.rel @p0 .LBB2_2-.Ltmp0, $4  }
0x5d: {  	[hbm4b:s4+s2] =	stream.linear.scatter [tilespmem:s22], [sflag:$0x8], $0x2000, $0x38;
	[tilespmem:$0x9900] =	vst v63  }
0x5e: {  	_ =	swait.ge [sflag:s31], $0x2000  }
0x5f: {  	[sflag:s31] =	ssyncset.done $0x0  }
0x60: {  	s21 =	sadd.s32 $0x700, s1;
	[sflag:s31] =	ssyncadd.s32 $0xFFFFE000  }
0x61: {  	[tilespmem:s22], [sflag:$0x4] =	stream.indirect.gather [hbm4b:s3+s16], $0x20, s21, s16, $0xb8;
	[tilespmem:$0x9900] =	vst v63  }
0x62: {  	_ =	swait.ge [sflag:s23], $0x2000  }
0x63: {  	[sflag:s23] =	ssyncset.done $0x0  }
0x64: {  	[sflag:s23] =	ssyncadd.s32 $0xFFFFE000  }
0x65: {  	[hbm4b:s7+s2] =	stream.linear.scatter [tilespmem:s17], [sflag:$0x5], $0x2000, $0x38;
	[tilespmem:$0x9900] =	vst v63  }
0x66: {  	_ =	swait.ge [sflag:s24], $0x2000  }
0x67: {  	[sflag:s24] =	ssyncset.done $0x0  }
0x68: {  	s1 =	simm.s32 $0x1800;
	[sflag:s24] =	ssyncadd.s32 $0xFFFFE000  }
0x69: {  	[tilespmem:s17], [sflag:$0x1] =	stream.indirect.gather [hbm4b:s3+s16], $0x20, s1, s16, $0xb8;
	[tilespmem:$0x9900] =	vst v63  }
0x6a: {  	_ =	swait.ge [sflag:s25], $0x2000  }
0x6b: {  	[sflag:s25] =	ssyncset.done $0x0  }
0x6c: {  	[sflag:s25] =	ssyncadd.s32 $0xFFFFE000  }
0x6d: {  	[hbm4b:s8+s2] =	stream.linear.scatter [tilespmem:s18], [sflag:$0x6], $0x2000, $0x38;
	[tilespmem:$0x9900] =	vst v63  }
0x6e: {  	_ =	swait.ge [sflag:s28], $0x2000  }
0x6f: {  	[sflag:s28] =	ssyncset.done $0x0  }
0x70: {  	[sflag:s28] =	ssyncadd.s32 $0xFFFFE000  }
0x71: {  	[hbm4b:s9+s2] =	stream.linear.scatter [tilespmem:s20], [sflag:$0x7], $0x2000, $0x38;
	[tilespmem:$0x9900] =	vst v63  }
0x72: {  	_ =	swait.ge [sflag:s30], $0x2000  }
0x73: {  	[sflag:s30] =	ssyncset.done $0x0  }
0x74: {  	[sflag:s30] =	ssyncadd.s32 $0xFFFFE000  }
0x75: {  	[hbm4b:s10+s2] =	stream.linear.scatter [tilespmem:s22], [sflag:$0x8], $0x2000, $0x38;
	[tilespmem:$0x9900] =	vst v63  }
0x76: {  	_ =	swait.ge [sflag:s23], $0x2000  }
0x77: {  	[sflag:s23] =	ssyncset.done $0x0  }
0x78: {  	[sflag:s23] =	ssyncadd.s32 $0xFFFFE000  }
0x79: {  	[hbm4b:s5+s2] =	stream.linear.scatter [tilespmem:s17], [sflag:$0x5], $0x2000, $0x38;
	[tilespmem:$0x9900] =	vst v63  }
0x7a: {  	_ =	swait.ge [sflag:s24], $0x2000  }
0x7b: {  	[sflag:s24] =	ssyncset.done $0x0  }
0x7c: {  	[sflag:s24] =	ssyncadd.s32 $0xFFFFE000  }
0x7d: {  	_ =	swait.ge [sflag:s26], $0x2000  }
0x7e: {  	[sflag:s26] =	ssyncset.done $0x0  }
0x7f: {  	s0 =	sadd.s32 $0x1, s0;
	[sflag:s26] =	ssyncadd.s32 $0xFFFFE000  }
0x80: {  	p0 =	sne.s32 s0, s6;
	_ =	swait.ge [sflag:s29], $0x2000  }
.Ltmp1:
0x81: {  	[sflag:s29] =	ssyncset.done $0x0;
	(pc) =	sbr.rel @p0 .LBB2_1-.Ltmp1, $4  }
0x82: {  	[sflag:s29] =	ssyncadd.s32 $0xFFFFE000  }
0x83: {  	_ =	swait.ge [sflag:s31], $0x2000  }
0x84: {  	[sflag:s31] =	ssyncset.done $0x0  }
0x85: {  	[sflag:s31] =	ssyncadd.s32 $0xFFFFE000  }
0x86: {  	_ =	sfence.sel $0x180000  }
0x87: {  	[bflag:$0x0] =	sbarrier.arrive $0xFFFF  }
0x88: {  	_ =	strace $0x90000047  }
0x89: {  	s0 =	stileid.u32;
	[bflag:$0x2] =	sbarrier.arrive $0xFFFF  }
0x8a: {  	p0 =	sne.s32 s0, $0x0;
	s0 =	rddreg [dreg:$0x3]  }
0x8b: {  	s0 =	sadd.s32 @!p0 $0x100000, s0  }
0x8c: {  	[sflag:s0] =	ssyncadd.tile.s32 @!p0 $0x1;
	_ =	shalt  }
.Lfunc_end2:
_tile_overlayer_lowered:
.L_overlay_start_2:
0x8d: {  	(tag) =	ssettag $0x2  }
0x8e: {  	s0 =	rddreg [dreg:$0x0];
	s2 =	stileid.u32  }
0x8f: {  	s1 =	rddreg [dreg:$0x1];
	p0 =	sne.s32 s2, $0x0  }
0x90: {  	s3 =	rddreg [dreg:$0x2];
	[bflag:$0x3] =	sbarrier.arrive $0xFFFF;
	s2 =	simm.s32 @!p0 $0x1C09  }
0x91: {  	[timem:s3], [sflag:s2] =	dma.local @!p0 [hbm:s0], s1  }
0x92: {  	s0 =	simm.s32 @!p0 $0x9  }
0x93: {  	_ =	swait.ge @!p0 [sflag:s0], s1  }
0x94: {  	s1 =	ssub.s32 @!p0 $0x0, s1;
	[sflag:s0] =	ssyncset.done @!p0 $0x0  }
0x95: {  	[sflag:s0] =	ssyncadd.s32 @!p0 s1  }
0x96: {  	[bflag:$0x3] =	sbarrier.arrive $0xFFFF  }
0x97: {  	_ =	shalt  }

</sc_bundles>
